<compile_context>
chip_gen: v7x
topology: tpu7x:2x2x1
jax: 0.10.2.dev20260603
libtpu: 0.0.44.dev20260713+nightly
codegen_flags: <defaults>
</compile_context>

<pallas_src>
import functools

import jax
import jax.numpy as jnp
from jax import lax
from jax.experimental import pallas as pl
from jax.experimental.pallas import tpu as pltpu
from jax.experimental.pallas import tpu_sc as plsc

N_NODES = 10000
N_EDGES = 320000
IN_DIM = 128
HID = 16

NC = 2
NS = 16
NW = NC * NS
E_PER_TILE = N_EDGES // NW
N_PAD = 10240
ROWS_PER_TILE = N_PAD // NS



PACK = 8
NPROW = N_PAD // PACK
_f32 = jnp.float32
_packed = jax.ShapeDtypeStruct((NPROW, PACK * HID), _f32)


def _tc1_body(xp_ref, wbd_ref, b_ref, y1_ref, r1_ref):
    y = jnp.dot(xp_ref[...], wbd_ref[...], preferred_element_type=jnp.float32)
    y1_ref[...] = y[:, :PACK * HID]
    r1_ref[...] = y[:, PACK * HID:] + jnp.concatenate([b_ref[...]] * PACK, axis=1)


def _tc2_body(p_ref, r1_ref, wbd_ref, b_ref, y2_ref, r2_ref):
    h = jnp.maximum(p_ref[0] + p_ref[1] + r1_ref[...], 0.0)
    y = jnp.dot(h, wbd_ref[...], preferred_element_type=jnp.float32)
    y2_ref[...] = y[:, :PACK * HID]
    r2_ref[...] = y[:, PACK * HID:] + jnp.concatenate([b_ref[...]] * PACK, axis=1)


def _tc3_body(p_ref, r2_ref, out_ref):
    out_ref[...] = jnp.maximum(p_ref[0, :N_NODES // PACK]
                               + p_ref[1, :N_NODES // PACK]
                               + r2_ref[:N_NODES // PACK], 0.0)


_tc1 = pl.pallas_call(_tc1_body, out_shape=(_packed, _packed))
_tc2 = pl.pallas_call(_tc2_body, out_shape=(_packed, _packed))
_tc3 = pl.pallas_call(
    _tc3_body, out_shape=jax.ShapeDtypeStruct((N_NODES // PACK, PACK * HID), _f32))



SUP = 1000
NSUP = E_PER_TILE // SUP
NBANK = 4


def _sc_body(y_hbm, edges_hbm, zeros_hbm, out_hbm,
             src_v, dst_v, banks, sgs, sss, acc_sh, y_sh):
    cid = lax.axis_index("c")
    sid = lax.axis_index("s")
    wid = sid * NC + cid

    rbase = sid * ROWS_PER_TILE
    pltpu.sync_copy(zeros_hbm.at[pl.ds(rbase, ROWS_PER_TILE)],
                    acc_sh.at[pl.ds(rbase, ROWS_PER_TILE)])

    pltpu.sync_copy(y_hbm.at[pl.ds(rbase, ROWS_PER_TILE)],
                    y_sh.at[pl.ds(rbase, ROWS_PER_TILE)])

    ebase = wid * E_PER_TILE
    pltpu.sync_copy(edges_hbm.at[pl.ds(ebase, E_PER_TILE)], src_v)
    pltpu.sync_copy(edges_hbm.at[pl.ds(N_EDGES + ebase, E_PER_TILE)], dst_v)
    plsc.subcore_barrier()

    def fire_gather(g):
        b = g % NBANK
        return pltpu.async_copy(
            y_sh.at[src_v.at[pl.ds(g * SUP, SUP)]], banks[b], sgs[b])

    def fire_scatter(g):
        b = g % NBANK
        return pltpu.async_copy(
            banks[b], acc_sh.at[dst_v.at[pl.ds(g * SUP, SUP)]], sss[b],
            add=True)

    AHEAD = NBANK - 1
    gd = {g: fire_gather(g) for g in range(min(AHEAD, NSUP))}
    sd = {}
    for g in range(NSUP):
        gd[g].wait()
        sd[g] = fire_scatter(g)
        if g + AHEAD < NSUP:
            if g + AHEAD - NBANK >= 0:
                sd[g + AHEAD - NBANK].wait()
            gd[g + AHEAD] = fire_gather(g + AHEAD)
    for g in range(max(0, NSUP - NBANK), NSUP):
        sd[g].wait()

    plsc.subcore_barrier()
    pltpu.sync_copy(acc_sh.at[pl.ds(rbase, ROWS_PER_TILE)],
                    out_hbm.at[cid, pl.ds(rbase, ROWS_PER_TILE)])


_sc_seg_sum = functools.partial(
    pl.kernel,
    out_type=jax.ShapeDtypeStruct((NC, N_PAD, HID), _f32),
    mesh=plsc.VectorSubcoreMesh(core_axis_name="c", subcore_axis_name="s",
                                num_cores=NC, num_subcores=NS),
    compiler_params=pltpu.CompilerParams(use_tc_tiling_on_sc=False,
                                         disable_bounds_checks=True),
    scratch_types=[
        pltpu.VMEM((E_PER_TILE,), jnp.int32),
        pltpu.VMEM((E_PER_TILE,), jnp.int32),
        [pltpu.VMEM((SUP, HID), _f32) for _ in range(NBANK)],
        [pltpu.SemaphoreType.DMA for _ in range(NBANK)],
        [pltpu.SemaphoreType.DMA for _ in range(NBANK)],
        pltpu.VMEM_SHARED((N_PAD, HID), _f32),
        pltpu.VMEM_SHARED((N_PAD, HID), _f32),
    ],
)(_sc_body)



def kernel(x, edge_index, W1_rel, W1_root, b1, W2_rel, W2_root, b2):
    edges = edge_index.astype(jnp.int32).reshape(2 * N_EDGES)
    zeros = jnp.zeros((N_PAD, HID), _f32)

    eye8 = jnp.eye(PACK, dtype=_f32)
    w1bd = jnp.concatenate([jnp.kron(eye8, W1_rel), jnp.kron(eye8, W1_root)],
                           axis=1)
    w2bd = jnp.concatenate([jnp.kron(eye8, W2_rel), jnp.kron(eye8, W2_root)],
                           axis=1)
    b1r = b1.reshape(1, HID)
    b2r = b2.reshape(1, HID)

    xp = jnp.pad(x, ((0, N_PAD - N_NODES), (0, 0))).reshape(NPROW, PACK * IN_DIM)
    y1p, r1p = _tc1(xp, w1bd, b1r)
    p = _sc_seg_sum(y1p.reshape(N_PAD, HID), edges, zeros)
    y2p, r2p = _tc2(p.reshape(NC, NPROW, PACK * HID), r1p, w2bd, b2r)
    p2 = _sc_seg_sum(y2p.reshape(N_PAD, HID), edges, zeros)
    outp = _tc3(p2.reshape(NC, NPROW, PACK * HID), r2p)
    return outp.reshape(N_NODES, HID)

# --- scband reference (transcript-rebuilt; emitter-appended) ---
"""Pipeline reference for scband-gcn-27324581937505 (READ-ONLY COPY).

The authoritative reference and input builder live on the scoring server;
editing this copy changes nothing except your own understanding.
"""

import jax, jax.numpy as jnp
import numpy as np

N_NODES = 10000
N_EDGES = 320000
IN_DIM = 128
HID = 16

def setup_inputs(seed: int = 0) -> dict:
    key = jax.random.key(seed)
    k1, k2, k3, k4, k5, k6 = jax.random.split(key, 6)
    x = jax.random.normal(k1, (N_NODES, IN_DIM), dtype=jnp.float32)
    edge_index = jax.random.randint(k2, (2, N_EDGES), 0, N_NODES, dtype=jnp.int64)
    s1 = 1.0 / np.sqrt(IN_DIM)
    s2 = 1.0 / np.sqrt(HID)
    W1_rel = jax.random.uniform(k3, (IN_DIM, HID), minval=-s1, maxval=s1, dtype=jnp.float32)
    W1_root = jax.random.uniform(k4, (IN_DIM, HID), minval=-s1, maxval=s1, dtype=jnp.float32)
    b1 = jnp.zeros((HID,), dtype=jnp.float32)
    W2_rel = jax.random.uniform(k5, (HID, HID), minval=-s2, maxval=s2, dtype=jnp.float32)
    W2_root = jax.random.uniform(k6, (HID, HID), minval=-s2, maxval=s2, dtype=jnp.float32)
    b2 = jnp.zeros((HID,), dtype=jnp.float32)
    return {"x": x, "edge_index": edge_index, "W1_rel": W1_rel, "W1_root": W1_root, "b1": b1, "W2_rel": W2_rel, "W2_root": W2_root, "b2": b2}

def _graph_conv(x, src, dst, W_rel, W_root, b, n_nodes):
    # PyG GraphConv: out_i = W_root x_i + W_rel * sum_{j->i} x_j + b
    msgs = jnp.take(x, src, axis=0)
    agg = jax.ops.segment_sum(msgs, dst, num_segments=n_nodes)
    return agg @ W_rel + x @ W_root + b

def reference(x, edge_index, W1_rel, W1_root, b1, W2_rel, W2_root, b2):
    src = edge_index[0]
    dst = edge_index[1]
    h = _graph_conv(x, src, dst, W1_rel, W1_root, b1, N_NODES)
    h = jax.nn.relu(h)
    # dropout is identity in eval mode
    h = _graph_conv(h, src, dst, W2_rel, W2_root, b2, N_NODES)
    h = jax.nn.relu(h)
    return h

if __name__ == "__main__":
    import jax
    _d = setup_inputs()
    print(jax.jit(kernel)(*tuple(_d.values())))

</pallas_src>

<mosaic_0001>
#map = affine_map<(d0, d1) -> (0, 0)>
#map1 = affine_map<(d0, d1) -> (0)>
#map2 = affine_map<(d0, d1) -> (0, 0, 0)>
module attributes {stable_mosaic.version = 14 : i64} {
  func.func @_sc_body(%arg0: i32, %arg1: i32, %arg2: memref<10240x16xf32, #tpu.memory_space<hbm>>, %arg3: memref<640000xi32, #tpu.memory_space<hbm>>, %arg4: memref<10240x16xf32, #tpu.memory_space<hbm>>, %arg5: memref<2x10240x16xf32, #tpu.memory_space<hbm>>, %arg6: memref<10000xi32, #tpu.memory_space<vmem>>, %arg7: memref<10000xi32, #tpu.memory_space<vmem>>, %arg8: memref<1000x16xf32, #tpu.memory_space<vmem>>, %arg9: memref<1000x16xf32, #tpu.memory_space<vmem>>, %arg10: memref<1000x16xf32, #tpu.memory_space<vmem>>, %arg11: memref<1000x16xf32, #tpu.memory_space<vmem>>, %arg12: memref<!tpu.dma_semaphore, #tpu.memory_space<semaphore_mem>>, %arg13: memref<!tpu.dma_semaphore, #tpu.memory_space<semaphore_mem>>, %arg14: memref<!tpu.dma_semaphore, #tpu.memory_space<semaphore_mem>>, %arg15: memref<!tpu.dma_semaphore, #tpu.memory_space<semaphore_mem>>, %arg16: memref<!tpu.dma_semaphore, #tpu.memory_space<semaphore_mem>>, %arg17: memref<!tpu.dma_semaphore, #tpu.memory_space<semaphore_mem>>, %arg18: memref<!tpu.dma_semaphore, #tpu.memory_space<semaphore_mem>>, %arg19: memref<!tpu.dma_semaphore, #tpu.memory_space<semaphore_mem>>, %arg20: memref<10240x16xf32, #tpu.memory_space<vmem_shared>>, %arg21: memref<10240x16xf32, #tpu.memory_space<vmem_shared>>) attributes {dimension_semantics = [#tpu.dimension_semantics<core_parallel>, #tpu.dimension_semantics<subcore_parallel>], iteration_bounds = array<i64: 2, 16>, scalar_prefetch = 0 : i64, scratch_operands = 16 : i64, tpu.core_type = #tpu.core_type<sc_vector_subcore>, window_params = [{transform_indices = #map}, {transform_indices = #map1}, {transform_indices = #map}, {transform_indices = #map2}]} {
    %mul3A = arith.constant 2 : i32
    %mul3A_0 = arith.muli %arg1, %mul3A : i32
    %add3A = arith.addi %mul3A_0, %arg0 : i32
    %mul3A_1 = arith.constant 640 : i32
    %mul3A_2 = arith.muli %arg1, %mul3A_1 : i32
    "tpu.region"() ({
      %run_scoped3A = tpu.sem_alloc : memref<!tpu.dma_semaphore, #tpu.memory_space<semaphore_mem>>
      %dma_start3A_206 = arith.constant 0 : i32
      %dma_start3A_207 = tpu.memref_slice %arg20[%mul3A_2, %dma_start3A_206] : memref<10240x16xf32, #tpu.memory_space<vmem_shared>> -> memref<640x16xf32, #tpu.memory_space<vmem_shared>>
      %dma_start3A_208 = arith.constant 0 : i32
      %dma_start3A_209 = tpu.memref_slice %arg4[%mul3A_2, %dma_start3A_208] : memref<10240x16xf32, #tpu.memory_space<hbm>> -> memref<640x16xf32, #tpu.memory_space<hbm>>
      tpu.enqueue_dma source(%dma_start3A_209 : memref<640x16xf32, #tpu.memory_space<hbm>>) target(%dma_start3A_207 : memref<640x16xf32, #tpu.memory_space<vmem_shared>>) target_semaphore(%run_scoped3A : memref<!tpu.dma_semaphore, #tpu.memory_space<semaphore_mem>>)
      %dma_wait3A_210 = arith.constant 0 : i32
      %dma_wait3A_211 = tpu.memref_slice %arg20[%mul3A_2, %dma_wait3A_210] : memref<10240x16xf32, #tpu.memory_space<vmem_shared>> -> memref<640x16xf32, #tpu.memory_space<vmem_shared>>
      %dma_wait3A_212 = arith.constant 0 : i32
      %dma_wait3A_213 = tpu.memref_slice %arg4[%mul3A_2, %dma_wait3A_212] : memref<10240x16xf32, #tpu.memory_space<hbm>> -> memref<640x16xf32, #tpu.memory_space<hbm>>
      tpu.wait_dma2 semaphore(%run_scoped3A : memref<!tpu.dma_semaphore, #tpu.memory_space<semaphore_mem>>) src(%dma_wait3A_213 : memref<640x16xf32, #tpu.memory_space<hbm>>) dst(%dma_wait3A_211 : memref<640x16xf32, #tpu.memory_space<vmem_shared>>)
      tpu.yield
    }) : () -> ()
    "tpu.region"() ({
      %run_scoped3A = tpu.sem_alloc : memref<!tpu.dma_semaphore, #tpu.memory_space<semaphore_mem>>
      %dma_start3A_206 = arith.constant 0 : i32
      %dma_start3A_207 = tpu.memref_slice %arg21[%mul3A_2, %dma_start3A_206] : memref<10240x16xf32, #tpu.memory_space<vmem_shared>> -> memref<640x16xf32, #tpu.memory_space<vmem_shared>>
      %dma_start3A_208 = arith.constant 0 : i32
      %dma_start3A_209 = tpu.memref_slice %arg2[%mul3A_2, %dma_start3A_208] : memref<10240x16xf32, #tpu.memory_space<hbm>> -> memref<640x16xf32, #tpu.memory_space<hbm>>
      tpu.enqueue_dma source(%dma_start3A_209 : memref<640x16xf32, #tpu.memory_space<hbm>>) target(%dma_start3A_207 : memref<640x16xf32, #tpu.memory_space<vmem_shared>>) target_semaphore(%run_scoped3A : memref<!tpu.dma_semaphore, #tpu.memory_space<semaphore_mem>>)
      %dma_wait3A_210 = arith.constant 0 : i32
      %dma_wait3A_211 = tpu.memref_slice %arg21[%mul3A_2, %dma_wait3A_210] : memref<10240x16xf32, #tpu.memory_space<vmem_shared>> -> memref<640x16xf32, #tpu.memory_space<vmem_shared>>
      %dma_wait3A_212 = arith.constant 0 : i32
      %dma_wait3A_213 = tpu.memref_slice %arg2[%mul3A_2, %dma_wait3A_212] : memref<10240x16xf32, #tpu.memory_space<hbm>> -> memref<640x16xf32, #tpu.memory_space<hbm>>
      tpu.wait_dma2 semaphore(%run_scoped3A : memref<!tpu.dma_semaphore, #tpu.memory_space<semaphore_mem>>) src(%dma_wait3A_213 : memref<640x16xf32, #tpu.memory_space<hbm>>) dst(%dma_wait3A_211 : memref<640x16xf32, #tpu.memory_space<vmem_shared>>)
      tpu.yield
    }) : () -> ()
    %mul3A_3 = arith.constant 10000 : i32
    %mul3A_4 = arith.muli %add3A, %mul3A_3 : i32
    "tpu.region"() ({
      %run_scoped3A = tpu.sem_alloc : memref<!tpu.dma_semaphore, #tpu.memory_space<semaphore_mem>>
      %dma_start3A_206 = tpu.memref_slice %arg3[%mul3A_4] : memref<640000xi32, #tpu.memory_space<hbm>> -> memref<10000xi32, #tpu.memory_space<hbm>>
      %dma_start3A_207 = tpu.memref_slice %arg3[%mul3A_4] : memref<640000xi32, #tpu.memory_space<hbm>> -> memref<10000xi32, #tpu.memory_space<hbm>>
      tpu.enqueue_dma source(%dma_start3A_207 : memref<10000xi32, #tpu.memory_space<hbm>>) target(%arg6 : memref<10000xi32, #tpu.memory_space<vmem>>) target_semaphore(%run_scoped3A : memref<!tpu.dma_semaphore, #tpu.memory_space<semaphore_mem>>)
      %dma_wait3A_208 = tpu.memref_slice %arg3[%mul3A_4] : memref<640000xi32, #tpu.memory_space<hbm>> -> memref<10000xi32, #tpu.memory_space<hbm>>
      %dma_wait3A_209 = tpu.memref_slice %arg3[%mul3A_4] : memref<640000xi32, #tpu.memory_space<hbm>> -> memref<10000xi32, #tpu.memory_space<hbm>>
      tpu.wait_dma2 semaphore(%run_scoped3A : memref<!tpu.dma_semaphore, #tpu.memory_space<semaphore_mem>>) src(%dma_wait3A_209 : memref<10000xi32, #tpu.memory_space<hbm>>) dst(%arg6 : memref<10000xi32, #tpu.memory_space<vmem>>)
      tpu.yield
    }) : () -> ()
    %add3A_5 = arith.constant 320000 : i32
    %add3A_6 = arith.addi %add3A_5, %mul3A_4 : i32
    "tpu.region"() ({
      %run_scoped3A = tpu.sem_alloc : memref<!tpu.dma_semaphore, #tpu.memory_space<semaphore_mem>>
      %dma_start3A_206 = tpu.memref_slice %arg3[%add3A_6] : memref<640000xi32, #tpu.memory_space<hbm>> -> memref<10000xi32, #tpu.memory_space<hbm>>
      %dma_start3A_207 = tpu.memref_slice %arg3[%add3A_6] : memref<640000xi32, #tpu.memory_space<hbm>> -> memref<10000xi32, #tpu.memory_space<hbm>>
      tpu.enqueue_dma source(%dma_start3A_207 : memref<10000xi32, #tpu.memory_space<hbm>>) target(%arg7 : memref<10000xi32, #tpu.memory_space<vmem>>) target_semaphore(%run_scoped3A : memref<!tpu.dma_semaphore, #tpu.memory_space<semaphore_mem>>)
      %dma_wait3A_208 = tpu.memref_slice %arg3[%add3A_6] : memref<640000xi32, #tpu.memory_space<hbm>> -> memref<10000xi32, #tpu.memory_space<hbm>>
      %dma_wait3A_209 = tpu.memref_slice %arg3[%add3A_6] : memref<640000xi32, #tpu.memory_space<hbm>> -> memref<10000xi32, #tpu.memory_space<hbm>>
      tpu.wait_dma2 semaphore(%run_scoped3A : memref<!tpu.dma_semaphore, #tpu.memory_space<semaphore_mem>>) src(%dma_wait3A_209 : memref<10000xi32, #tpu.memory_space<hbm>>) dst(%arg7 : memref<10000xi32, #tpu.memory_space<vmem>>)
      tpu.yield
    }) : () -> ()
    %barrier3A = arith.constant 0 : index
    tpu.barrier barrier_id(%barrier3A)
    %dma_start3A = arith.constant 0 : i32
    %dma_start3A_7 = tpu.memref_slice %arg6[%dma_start3A] : memref<10000xi32, #tpu.memory_space<vmem>> -> memref<1000xi32, #tpu.memory_space<vmem>>
    %dma_start3A_8 = arith.constant 0 : i32
    %dma_start3A_9 = arith.constant 0 : i32
    %dma_start3A_10 = tpu.memref_slice %arg21[%dma_start3A_8, %dma_start3A_9] : memref<10240x16xf32, #tpu.memory_space<vmem_shared>> -> memref<10240x16xf32, #tpu.memory_space<vmem_shared>>
    tpu.enqueue_indirect_dma source(%dma_start3A_10 : memref<10240x16xf32, #tpu.memory_space<vmem_shared>>) target(%arg8 : memref<1000x16xf32, #tpu.memory_space<vmem>>) offsets(%dma_start3A_7 : memref<1000xi32, #tpu.memory_space<vmem>>) semaphore(%arg12 : memref<!tpu.dma_semaphore, #tpu.memory_space<semaphore_mem>>)
    %dma_start3A_11 = arith.constant 1000 : i32
    %dma_start3A_12 = tpu.memref_slice %arg6[%dma_start3A_11] : memref<10000xi32, #tpu.memory_space<vmem>> -> memref<1000xi32, #tpu.memory_space<vmem>>
    %dma_start3A_13 = arith.constant 0 : i32
    %dma_start3A_14 = arith.constant 0 : i32
    %dma_start3A_15 = tpu.memref_slice %arg21[%dma_start3A_13, %dma_start3A_14] : memref<10240x16xf32, #tpu.memory_space<vmem_shared>> -> memref<10240x16xf32, #tpu.memory_space<vmem_shared>>
    tpu.enqueue_indirect_dma source(%dma_start3A_15 : memref<10240x16xf32, #tpu.memory_space<vmem_shared>>) target(%arg9 : memref<1000x16xf32, #tpu.memory_space<vmem>>) offsets(%dma_start3A_12 : memref<1000xi32, #tpu.memory_space<vmem>>) semaphore(%arg13 : memref<!tpu.dma_semaphore, #tpu.memory_space<semaphore_mem>>)
    %dma_start3A_16 = arith.constant 2000 : i32
    %dma_start3A_17 = tpu.memref_slice %arg6[%dma_start3A_16] : memref<10000xi32, #tpu.memory_space<vmem>> -> memref<1000xi32, #tpu.memory_space<vmem>>
    %dma_start3A_18 = arith.constant 0 : i32
    %dma_start3A_19 = arith.constant 0 : i32
    %dma_start3A_20 = tpu.memref_slice %arg21[%dma_start3A_18, %dma_start3A_19] : memref<10240x16xf32, #tpu.memory_space<vmem_shared>> -> memref<10240x16xf32, #tpu.memory_space<vmem_shared>>
    tpu.enqueue_indirect_dma source(%dma_start3A_20 : memref<10240x16xf32, #tpu.memory_space<vmem_shared>>) target(%arg10 : memref<1000x16xf32, #tpu.memory_space<vmem>>) offsets(%dma_start3A_17 : memref<1000xi32, #tpu.memory_space<vmem>>) semaphore(%arg14 : memref<!tpu.dma_semaphore, #tpu.memory_space<semaphore_mem>>)
    %dma_wait3A = arith.constant 0 : i32
    %dma_wait3A_21 = tpu.memref_slice %arg6[%dma_wait3A] : memref<10000xi32, #tpu.memory_space<vmem>> -> memref<1000xi32, #tpu.memory_space<vmem>>
    %dma_wait3A_22 = arith.constant 0 : i32
    %dma_wait3A_23 = arith.constant 0 : i32
    %dma_wait3A_24 = tpu.memref_slice %arg21[%dma_wait3A_22, %dma_wait3A_23] : memref<10240x16xf32, #tpu.memory_space<vmem_shared>> -> memref<10240x16xf32, #tpu.memory_space<vmem_shared>>
    tpu.wait_indirect_dma semaphore(%arg12 : memref<!tpu.dma_semaphore, #tpu.memory_space<semaphore_mem>>) src(%dma_wait3A_24 : memref<10240x16xf32, #tpu.memory_space<vmem_shared>>) dst(%arg8 : memref<1000x16xf32, #tpu.memory_space<vmem>>)
    %dma_start3A_25 = arith.constant 0 : i32
    %dma_start3A_26 = tpu.memref_slice %arg7[%dma_start3A_25] : memref<10000xi32, #tpu.memory_space<vmem>> -> memref<1000xi32, #tpu.memory_space<vmem>>
    %dma_start3A_27 = arith.constant 0 : i32
    %dma_start3A_28 = arith.constant 0 : i32
    %dma_start3A_29 = tpu.memref_slice %arg20[%dma_start3A_27, %dma_start3A_28] : memref<10240x16xf32, #tpu.memory_space<vmem_shared>> -> memref<10240x16xf32, #tpu.memory_space<vmem_shared>>
    tpu.enqueue_indirect_dma source(%arg8 : memref<1000x16xf32, #tpu.memory_space<vmem>>) target(%dma_start3A_29 : memref<10240x16xf32, #tpu.memory_space<vmem_shared>>) offsets(%dma_start3A_26 : memref<1000xi32, #tpu.memory_space<vmem>>) semaphore(%arg16 : memref<!tpu.dma_semaphore, #tpu.memory_space<semaphore_mem>>) {add = true}
    %dma_start3A_30 = arith.constant 3000 : i32
    %dma_start3A_31 = tpu.memref_slice %arg6[%dma_start3A_30] : memref<10000xi32, #tpu.memory_space<vmem>> -> memref<1000xi32, #tpu.memory_space<vmem>>
    %dma_start3A_32 = arith.constant 0 : i32
    %dma_start3A_33 = arith.constant 0 : i32
    %dma_start3A_34 = tpu.memref_slice %arg21[%dma_start3A_32, %dma_start3A_33] : memref<10240x16xf32, #tpu.memory_space<vmem_shared>> -> memref<10240x16xf32, #tpu.memory_space<vmem_shared>>
    tpu.enqueue_indirect_dma source(%dma_start3A_34 : memref<10240x16xf32, #tpu.memory_space<vmem_shared>>) target(%arg11 : memref<1000x16xf32, #tpu.memory_space<vmem>>) offsets(%dma_start3A_31 : memref<1000xi32, #tpu.memory_space<vmem>>) semaphore(%arg15 : memref<!tpu.dma_semaphore, #tpu.memory_space<semaphore_mem>>)
    %dma_wait3A_35 = arith.constant 1000 : i32
    %dma_wait3A_36 = tpu.memref_slice %arg6[%dma_wait3A_35] : memref<10000xi32, #tpu.memory_space<vmem>> -> memref<1000xi32, #tpu.memory_space<vmem>>
    %dma_wait3A_37 = arith.constant 0 : i32
    %dma_wait3A_38 = arith.constant 0 : i32
    %dma_wait3A_39 = tpu.memref_slice %arg21[%dma_wait3A_37, %dma_wait3A_38] : memref<10240x16xf32, #tpu.memory_space<vmem_shared>> -> memref<10240x16xf32, #tpu.memory_space<vmem_shared>>
    tpu.wait_indirect_dma semaphore(%arg13 : memref<!tpu.dma_semaphore, #tpu.memory_space<semaphore_mem>>) src(%dma_wait3A_39 : memref<10240x16xf32, #tpu.memory_space<vmem_shared>>) dst(%arg9 : memref<1000x16xf32, #tpu.memory_space<vmem>>)
    %dma_start3A_40 = arith.constant 1000 : i32
    %dma_start3A_41 = tpu.memref_slice %arg7[%dma_start3A_40] : memref<10000xi32, #tpu.memory_space<vmem>> -> memref<1000xi32, #tpu.memory_space<vmem>>
    %dma_start3A_42 = arith.constant 0 : i32
    %dma_start3A_43 = arith.constant 0 : i32
    %dma_start3A_44 = tpu.memref_slice %arg20[%dma_start3A_42, %dma_start3A_43] : memref<10240x16xf32, #tpu.memory_space<vmem_shared>> -> memref<10240x16xf32, #tpu.memory_space<vmem_shared>>
    tpu.enqueue_indirect_dma source(%arg9 : memref<1000x16xf32, #tpu.memory_space<vmem>>) target(%dma_start3A_44 : memref<10240x16xf32, #tpu.memory_space<vmem_shared>>) offsets(%dma_start3A_41 : memref<1000xi32, #tpu.memory_space<vmem>>) semaphore(%arg17 : memref<!tpu.dma_semaphore, #tpu.memory_space<semaphore_mem>>) {add = true}
    %dma_wait3A_45 = arith.constant 0 : i32
    %dma_wait3A_46 = tpu.memref_slice %arg7[%dma_wait3A_45] : memref<10000xi32, #tpu.memory_space<vmem>> -> memref<1000xi32, #tpu.memory_space<vmem>>
    %dma_wait3A_47 = arith.constant 0 : i32
    %dma_wait3A_48 = arith.constant 0 : i32
    %dma_wait3A_49 = tpu.memref_slice %arg20[%dma_wait3A_47, %dma_wait3A_48] : memref<10240x16xf32, #tpu.memory_space<vmem_shared>> -> memref<10240x16xf32, #tpu.memory_space<vmem_shared>>
    tpu.wait_indirect_dma semaphore(%arg16 : memref<!tpu.dma_semaphore, #tpu.memory_space<semaphore_mem>>) src(%arg8 : memref<1000x16xf32, #tpu.memory_space<vmem>>) dst(%dma_wait3A_49 : memref<10240x16xf32, #tpu.memory_space<vmem_shared>>)
    %dma_start3A_50 = arith.constant 4000 : i32
    %dma_start3A_51 = tpu.memref_slice %arg6[%dma_start3A_50] : memref<10000xi32, #tpu.memory_space<vmem>> -> memref<1000xi32, #tpu.memory_space<vmem>>
    %dma_start3A_52 = arith.constant 0 : i32
    %dma_start3A_53 = arith.constant 0 : i32
    %dma_start3A_54 = tpu.memref_slice %arg21[%dma_start3A_52, %dma_start3A_53] : memref<10240x16xf32, #tpu.memory_space<vmem_shared>> -> memref<10240x16xf32, #tpu.memory_space<vmem_shared>>
    tpu.enqueue_indirect_dma source(%dma_start3A_54 : memref<10240x16xf32, #tpu.memory_space<vmem_shared>>) target(%arg8 : memref<1000x16xf32, #tpu.memory_space<vmem>>) offsets(%dma_start3A_51 : memref<1000xi32, #tpu.memory_space<vmem>>) semaphore(%arg12 : memref<!tpu.dma_semaphore, #tpu.memory_space<semaphore_mem>>)
    %dma_wait3A_55 = arith.constant 2000 : i32
    %dma_wait3A_56 = tpu.memref_slice %arg6[%dma_wait3A_55] : memref<10000xi32, #tpu.memory_space<vmem>> -> memref<1000xi32, #tpu.memory_space<vmem>>
    %dma_wait3A_57 = arith.constant 0 : i32
    %dma_wait3A_58 = arith.constant 0 : i32
    %dma_wait3A_59 = tpu.memref_slice %arg21[%dma_wait3A_57, %dma_wait3A_58] : memref<10240x16xf32, #tpu.memory_space<vmem_shared>> -> memref<10240x16xf32, #tpu.memory_space<vmem_shared>>
    tpu.wait_indirect_dma semaphore(%arg14 : memref<!tpu.dma_semaphore, #tpu.memory_space<semaphore_mem>>) src(%dma_wait3A_59 : memref<10240x16xf32, #tpu.memory_space<vmem_shared>>) dst(%arg10 : memref<1000x16xf32, #tpu.memory_space<vmem>>)
    %dma_start3A_60 = arith.constant 2000 : i32
    %dma_start3A_61 = tpu.memref_slice %arg7[%dma_start3A_60] : memref<10000xi32, #tpu.memory_space<vmem>> -> memref<1000xi32, #tpu.memory_space<vmem>>
    %dma_start3A_62 = arith.constant 0 : i32
    %dma_start3A_63 = arith.constant 0 : i32
    %dma_start3A_64 = tpu.memref_slice %arg20[%dma_start3A_62, %dma_start3A_63] : memref<10240x16xf32, #tpu.memory_space<vmem_shared>> -> memref<10240x16xf32, #tpu.memory_space<vmem_shared>>
    tpu.enqueue_indirect_dma source(%arg10 : memref<1000x16xf32, #tpu.memory_space<vmem>>) target(%dma_start3A_64 : memref<10240x16xf32, #tpu.memory_space<vmem_shared>>) offsets(%dma_start3A_61 : memref<1000xi32, #tpu.memory_space<vmem>>) semaphore(%arg18 : memref<!tpu.dma_semaphore, #tpu.memory_space<semaphore_mem>>) {add = true}
    %dma_wait3A_65 = arith.constant 1000 : i32
    %dma_wait3A_66 = tpu.memref_slice %arg7[%dma_wait3A_65] : memref<10000xi32, #tpu.memory_space<vmem>> -> memref<1000xi32, #tpu.memory_space<vmem>>
    %dma_wait3A_67 = arith.constant 0 : i32
    %dma_wait3A_68 = arith.constant 0 : i32
    %dma_wait3A_69 = tpu.memref_slice %arg20[%dma_wait3A_67, %dma_wait3A_68] : memref<10240x16xf32, #tpu.memory_space<vmem_shared>> -> memref<10240x16xf32, #tpu.memory_space<vmem_shared>>
    tpu.wait_indirect_dma semaphore(%arg17 : memref<!tpu.dma_semaphore, #tpu.memory_space<semaphore_mem>>) src(%arg9 : memref<1000x16xf32, #tpu.memory_space<vmem>>) dst(%dma_wait3A_69 : memref<10240x16xf32, #tpu.memory_space<vmem_shared>>)
    %dma_start3A_70 = arith.constant 5000 : i32
    %dma_start3A_71 = tpu.memref_slice %arg6[%dma_start3A_70] : memref<10000xi32, #tpu.memory_space<vmem>> -> memref<1000xi32, #tpu.memory_space<vmem>>
    %dma_start3A_72 = arith.constant 0 : i32
    %dma_start3A_73 = arith.constant 0 : i32
    %dma_start3A_74 = tpu.memref_slice %arg21[%dma_start3A_72, %dma_start3A_73] : memref<10240x16xf32, #tpu.memory_space<vmem_shared>> -> memref<10240x16xf32, #tpu.memory_space<vmem_shared>>
    tpu.enqueue_indirect_dma source(%dma_start3A_74 : memref<10240x16xf32, #tpu.memory_space<vmem_shared>>) target(%arg9 : memref<1000x16xf32, #tpu.memory_space<vmem>>) offsets(%dma_start3A_71 : memref<1000xi32, #tpu.memory_space<vmem>>) semaphore(%arg13 : memref<!tpu.dma_semaphore, #tpu.memory_space<semaphore_mem>>)
    %dma_wait3A_75 = arith.constant 3000 : i32
    %dma_wait3A_76 = tpu.memref_slice %arg6[%dma_wait3A_75] : memref<10000xi32, #tpu.memory_space<vmem>> -> memref<1000xi32, #tpu.memory_space<vmem>>
    %dma_wait3A_77 = arith.constant 0 : i32
    %dma_wait3A_78 = arith.constant 0 : i32
    %dma_wait3A_79 = tpu.memref_slice %arg21[%dma_wait3A_77, %dma_wait3A_78] : memref<10240x16xf32, #tpu.memory_space<vmem_shared>> -> memref<10240x16xf32, #tpu.memory_space<vmem_shared>>
    tpu.wait_indirect_dma semaphore(%arg15 : memref<!tpu.dma_semaphore, #tpu.memory_space<semaphore_mem>>) src(%dma_wait3A_79 : memref<10240x16xf32, #tpu.memory_space<vmem_shared>>) dst(%arg11 : memref<1000x16xf32, #tpu.memory_space<vmem>>)
    %dma_start3A_80 = arith.constant 3000 : i32
    %dma_start3A_81 = tpu.memref_slice %arg7[%dma_start3A_80] : memref<10000xi32, #tpu.memory_space<vmem>> -> memref<1000xi32, #tpu.memory_space<vmem>>
    %dma_start3A_82 = arith.constant 0 : i32
    %dma_start3A_83 = arith.constant 0 : i32
    %dma_start3A_84 = tpu.memref_slice %arg20[%dma_start3A_82, %dma_start3A_83] : memref<10240x16xf32, #tpu.memory_space<vmem_shared>> -> memref<10240x16xf32, #tpu.memory_space<vmem_shared>>
    tpu.enqueue_indirect_dma source(%arg11 : memref<1000x16xf32, #tpu.memory_space<vmem>>) target(%dma_start3A_84 : memref<10240x16xf32, #tpu.memory_space<vmem_shared>>) offsets(%dma_start3A_81 : memref<1000xi32, #tpu.memory_space<vmem>>) semaphore(%arg19 : memref<!tpu.dma_semaphore, #tpu.memory_space<semaphore_mem>>) {add = true}
    %dma_wait3A_85 = arith.constant 2000 : i32
    %dma_wait3A_86 = tpu.memref_slice %arg7[%dma_wait3A_85] : memref<10000xi32, #tpu.memory_space<vmem>> -> memref<1000xi32, #tpu.memory_space<vmem>>
    %dma_wait3A_87 = arith.constant 0 : i32
    %dma_wait3A_88 = arith.constant 0 : i32
    %dma_wait3A_89 = tpu.memref_slice %arg20[%dma_wait3A_87, %dma_wait3A_88] : memref<10240x16xf32, #tpu.memory_space<vmem_shared>> -> memref<10240x16xf32, #tpu.memory_space<vmem_shared>>
    tpu.wait_indirect_dma semaphore(%arg18 : memref<!tpu.dma_semaphore, #tpu.memory_space<semaphore_mem>>) src(%arg10 : memref<1000x16xf32, #tpu.memory_space<vmem>>) dst(%dma_wait3A_89 : memref<10240x16xf32, #tpu.memory_space<vmem_shared>>)
    %dma_start3A_90 = arith.constant 6000 : i32
    %dma_start3A_91 = tpu.memref_slice %arg6[%dma_start3A_90] : memref<10000xi32, #tpu.memory_space<vmem>> -> memref<1000xi32, #tpu.memory_space<vmem>>
    %dma_start3A_92 = arith.constant 0 : i32
    %dma_start3A_93 = arith.constant 0 : i32
    %dma_start3A_94 = tpu.memref_slice %arg21[%dma_start3A_92, %dma_start3A_93] : memref<10240x16xf32, #tpu.memory_space<vmem_shared>> -> memref<10240x16xf32, #tpu.memory_space<vmem_shared>>
    tpu.enqueue_indirect_dma source(%dma_start3A_94 : memref<10240x16xf32, #tpu.memory_space<vmem_shared>>) target(%arg10 : memref<1000x16xf32, #tpu.memory_space<vmem>>) offsets(%dma_start3A_91 : memref<1000xi32, #tpu.memory_space<vmem>>) semaphore(%arg14 : memref<!tpu.dma_semaphore, #tpu.memory_space<semaphore_mem>>)
    %dma_wait3A_95 = arith.constant 4000 : i32
    %dma_wait3A_96 = tpu.memref_slice %arg6[%dma_wait3A_95] : memref<10000xi32, #tpu.memory_space<vmem>> -> memref<1000xi32, #tpu.memory_space<vmem>>
    %dma_wait3A_97 = arith.constant 0 : i32
    %dma_wait3A_98 = arith.constant 0 : i32
    %dma_wait3A_99 = tpu.memref_slice %arg21[%dma_wait3A_97, %dma_wait3A_98] : memref<10240x16xf32, #tpu.memory_space<vmem_shared>> -> memref<10240x16xf32, #tpu.memory_space<vmem_shared>>
    tpu.wait_indirect_dma semaphore(%arg12 : memref<!tpu.dma_semaphore, #tpu.memory_space<semaphore_mem>>) src(%dma_wait3A_99 : memref<10240x16xf32, #tpu.memory_space<vmem_shared>>) dst(%arg8 : memref<1000x16xf32, #tpu.memory_space<vmem>>)
    %dma_start3A_100 = arith.constant 4000 : i32
    %dma_start3A_101 = tpu.memref_slice %arg7[%dma_start3A_100] : memref<10000xi32, #tpu.memory_space<vmem>> -> memref<1000xi32, #tpu.memory_space<vmem>>
    %dma_start3A_102 = arith.constant 0 : i32
    %dma_start3A_103 = arith.constant 0 : i32
    %dma_start3A_104 = tpu.memref_slice %arg20[%dma_start3A_102, %dma_start3A_103] : memref<10240x16xf32, #tpu.memory_space<vmem_shared>> -> memref<10240x16xf32, #tpu.memory_space<vmem_shared>>
    tpu.enqueue_indirect_dma source(%arg8 : memref<1000x16xf32, #tpu.memory_space<vmem>>) target(%dma_start3A_104 : memref<10240x16xf32, #tpu.memory_space<vmem_shared>>) offsets(%dma_start3A_101 : memref<1000xi32, #tpu.memory_space<vmem>>) semaphore(%arg16 : memref<!tpu.dma_semaphore, #tpu.memory_space<semaphore_mem>>) {add = true}
    %dma_wait3A_105 = arith.constant 3000 : i32
    %dma_wait3A_106 = tpu.memref_slice %arg7[%dma_wait3A_105] : memref<10000xi32, #tpu.memory_space<vmem>> -> memref<1000xi32, #tpu.memory_space<vmem>>
    %dma_wait3A_107 = arith.constant 0 : i32
    %dma_wait3A_108 = arith.constant 0 : i32
    %dma_wait3A_109 = tpu.memref_slice %arg20[%dma_wait3A_107, %dma_wait3A_108] : memref<10240x16xf32, #tpu.memory_space<vmem_shared>> -> memref<10240x16xf32, #tpu.memory_space<vmem_shared>>
    tpu.wait_indirect_dma semaphore(%arg19 : memref<!tpu.dma_semaphore, #tpu.memory_space<semaphore_mem>>) src(%arg11 : memref<1000x16xf32, #tpu.memory_space<vmem>>) dst(%dma_wait3A_109 : memref<10240x16xf32, #tpu.memory_space<vmem_shared>>)
    %dma_start3A_110 = arith.constant 7000 : i32
    %dma_start3A_111 = tpu.memref_slice %arg6[%dma_start3A_110] : memref<10000xi32, #tpu.memory_space<vmem>> -> memref<1000xi32, #tpu.memory_space<vmem>>
    %dma_start3A_112 = arith.constant 0 : i32
    %dma_start3A_113 = arith.constant 0 : i32
    %dma_start3A_114 = tpu.memref_slice %arg21[%dma_start3A_112, %dma_start3A_113] : memref<10240x16xf32, #tpu.memory_space<vmem_shared>> -> memref<10240x16xf32, #tpu.memory_space<vmem_shared>>
    tpu.enqueue_indirect_dma source(%dma_start3A_114 : memref<10240x16xf32, #tpu.memory_space<vmem_shared>>) target(%arg11 : memref<1000x16xf32, #tpu.memory_space<vmem>>) offsets(%dma_start3A_111 : memref<1000xi32, #tpu.memory_space<vmem>>) semaphore(%arg15 : memref<!tpu.dma_semaphore, #tpu.memory_space<semaphore_mem>>)
    %dma_wait3A_115 = arith.constant 5000 : i32
    %dma_wait3A_116 = tpu.memref_slice %arg6[%dma_wait3A_115] : memref<10000xi32, #tpu.memory_space<vmem>> -> memref<1000xi32, #tpu.memory_space<vmem>>
    %dma_wait3A_117 = arith.constant 0 : i32
    %dma_wait3A_118 = arith.constant 0 : i32
    %dma_wait3A_119 = tpu.memref_slice %arg21[%dma_wait3A_117, %dma_wait3A_118] : memref<10240x16xf32, #tpu.memory_space<vmem_shared>> -> memref<10240x16xf32, #tpu.memory_space<vmem_shared>>
    tpu.wait_indirect_dma semaphore(%arg13 : memref<!tpu.dma_semaphore, #tpu.memory_space<semaphore_mem>>) src(%dma_wait3A_119 : memref<10240x16xf32, #tpu.memory_space<vmem_shared>>) dst(%arg9 : memref<1000x16xf32, #tpu.memory_space<vmem>>)
    %dma_start3A_120 = arith.constant 5000 : i32
    %dma_start3A_121 = tpu.memref_slice %arg7[%dma_start3A_120] : memref<10000xi32, #tpu.memory_space<vmem>> -> memref<1000xi32, #tpu.memory_space<vmem>>
    %dma_start3A_122 = arith.constant 0 : i32
    %dma_start3A_123 = arith.constant 0 : i32
    %dma_start3A_124 = tpu.memref_slice %arg20[%dma_start3A_122, %dma_start3A_123] : memref<10240x16xf32, #tpu.memory_space<vmem_shared>> -> memref<10240x16xf32, #tpu.memory_space<vmem_shared>>
    tpu.enqueue_indirect_dma source(%arg9 : memref<1000x16xf32, #tpu.memory_space<vmem>>) target(%dma_start3A_124 : memref<10240x16xf32, #tpu.memory_space<vmem_shared>>) offsets(%dma_start3A_121 : memref<1000xi32, #tpu.memory_space<vmem>>) semaphore(%arg17 : memref<!tpu.dma_semaphore, #tpu.memory_space<semaphore_mem>>) {add = true}
    %dma_wait3A_125 = arith.constant 4000 : i32
    %dma_wait3A_126 = tpu.memref_slice %arg7[%dma_wait3A_125] : memref<10000xi32, #tpu.memory_space<vmem>> -> memref<1000xi32, #tpu.memory_space<vmem>>
    %dma_wait3A_127 = arith.constant 0 : i32
    %dma_wait3A_128 = arith.constant 0 : i32
    %dma_wait3A_129 = tpu.memref_slice %arg20[%dma_wait3A_127, %dma_wait3A_128] : memref<10240x16xf32, #tpu.memory_space<vmem_shared>> -> memref<10240x16xf32, #tpu.memory_space<vmem_shared>>
    tpu.wait_indirect_dma semaphore(%arg16 : memref<!tpu.dma_semaphore, #tpu.memory_space<semaphore_mem>>) src(%arg8 : memref<1000x16xf32, #tpu.memory_space<vmem>>) dst(%dma_wait3A_129 : memref<10240x16xf32, #tpu.memory_space<vmem_shared>>)
    %dma_start3A_130 = arith.constant 8000 : i32
    %dma_start3A_131 = tpu.memref_slice %arg6[%dma_start3A_130] : memref<10000xi32, #tpu.memory_space<vmem>> -> memref<1000xi32, #tpu.memory_space<vmem>>
    %dma_start3A_132 = arith.constant 0 : i32
    %dma_start3A_133 = arith.constant 0 : i32
    %dma_start3A_134 = tpu.memref_slice %arg21[%dma_start3A_132, %dma_start3A_133] : memref<10240x16xf32, #tpu.memory_space<vmem_shared>> -> memref<10240x16xf32, #tpu.memory_space<vmem_shared>>
    tpu.enqueue_indirect_dma source(%dma_start3A_134 : memref<10240x16xf32, #tpu.memory_space<vmem_shared>>) target(%arg8 : memref<1000x16xf32, #tpu.memory_space<vmem>>) offsets(%dma_start3A_131 : memref<1000xi32, #tpu.memory_space<vmem>>) semaphore(%arg12 : memref<!tpu.dma_semaphore, #tpu.memory_space<semaphore_mem>>)
    %dma_wait3A_135 = arith.constant 6000 : i32
    %dma_wait3A_136 = tpu.memref_slice %arg6[%dma_wait3A_135] : memref<10000xi32, #tpu.memory_space<vmem>> -> memref<1000xi32, #tpu.memory_space<vmem>>
    %dma_wait3A_137 = arith.constant 0 : i32
    %dma_wait3A_138 = arith.constant 0 : i32
    %dma_wait3A_139 = tpu.memref_slice %arg21[%dma_wait3A_137, %dma_wait3A_138] : memref<10240x16xf32, #tpu.memory_space<vmem_shared>> -> memref<10240x16xf32, #tpu.memory_space<vmem_shared>>
    tpu.wait_indirect_dma semaphore(%arg14 : memref<!tpu.dma_semaphore, #tpu.memory_space<semaphore_mem>>) src(%dma_wait3A_139 : memref<10240x16xf32, #tpu.memory_space<vmem_shared>>) dst(%arg10 : memref<1000x16xf32, #tpu.memory_space<vmem>>)
    %dma_start3A_140 = arith.constant 6000 : i32
    %dma_start3A_141 = tpu.memref_slice %arg7[%dma_start3A_140] : memref<10000xi32, #tpu.memory_space<vmem>> -> memref<1000xi32, #tpu.memory_space<vmem>>
    %dma_start3A_142 = arith.constant 0 : i32
    %dma_start3A_143 = arith.constant 0 : i32
    %dma_start3A_144 = tpu.memref_slice %arg20[%dma_start3A_142, %dma_start3A_143] : memref<10240x16xf32, #tpu.memory_space<vmem_shared>> -> memref<10240x16xf32, #tpu.memory_space<vmem_shared>>
    tpu.enqueue_indirect_dma source(%arg10 : memref<1000x16xf32, #tpu.memory_space<vmem>>) target(%dma_start3A_144 : memref<10240x16xf32, #tpu.memory_space<vmem_shared>>) offsets(%dma_start3A_141 : memref<1000xi32, #tpu.memory_space<vmem>>) semaphore(%arg18 : memref<!tpu.dma_semaphore, #tpu.memory_space<semaphore_mem>>) {add = true}
    %dma_wait3A_145 = arith.constant 5000 : i32
    %dma_wait3A_146 = tpu.memref_slice %arg7[%dma_wait3A_145] : memref<10000xi32, #tpu.memory_space<vmem>> -> memref<1000xi32, #tpu.memory_space<vmem>>
    %dma_wait3A_147 = arith.constant 0 : i32
    %dma_wait3A_148 = arith.constant 0 : i32
    %dma_wait3A_149 = tpu.memref_slice %arg20[%dma_wait3A_147, %dma_wait3A_148] : memref<10240x16xf32, #tpu.memory_space<vmem_shared>> -> memref<10240x16xf32, #tpu.memory_space<vmem_shared>>
    tpu.wait_indirect_dma semaphore(%arg17 : memref<!tpu.dma_semaphore, #tpu.memory_space<semaphore_mem>>) src(%arg9 : memref<1000x16xf32, #tpu.memory_space<vmem>>) dst(%dma_wait3A_149 : memref<10240x16xf32, #tpu.memory_space<vmem_shared>>)
    %dma_start3A_150 = arith.constant 9000 : i32
    %dma_start3A_151 = tpu.memref_slice %arg6[%dma_start3A_150] : memref<10000xi32, #tpu.memory_space<vmem>> -> memref<1000xi32, #tpu.memory_space<vmem>>
    %dma_start3A_152 = arith.constant 0 : i32
    %dma_start3A_153 = arith.constant 0 : i32
    %dma_start3A_154 = tpu.memref_slice %arg21[%dma_start3A_152, %dma_start3A_153] : memref<10240x16xf32, #tpu.memory_space<vmem_shared>> -> memref<10240x16xf32, #tpu.memory_space<vmem_shared>>
    tpu.enqueue_indirect_dma source(%dma_start3A_154 : memref<10240x16xf32, #tpu.memory_space<vmem_shared>>) target(%arg9 : memref<1000x16xf32, #tpu.memory_space<vmem>>) offsets(%dma_start3A_151 : memref<1000xi32, #tpu.memory_space<vmem>>) semaphore(%arg13 : memref<!tpu.dma_semaphore, #tpu.memory_space<semaphore_mem>>)
    %dma_wait3A_155 = arith.constant 7000 : i32
    %dma_wait3A_156 = tpu.memref_slice %arg6[%dma_wait3A_155] : memref<10000xi32, #tpu.memory_space<vmem>> -> memref<1000xi32, #tpu.memory_space<vmem>>
    %dma_wait3A_157 = arith.constant 0 : i32
    %dma_wait3A_158 = arith.constant 0 : i32
    %dma_wait3A_159 = tpu.memref_slice %arg21[%dma_wait3A_157, %dma_wait3A_158] : memref<10240x16xf32, #tpu.memory_space<vmem_shared>> -> memref<10240x16xf32, #tpu.memory_space<vmem_shared>>
    tpu.wait_indirect_dma semaphore(%arg15 : memref<!tpu.dma_semaphore, #tpu.memory_space<semaphore_mem>>) src(%dma_wait3A_159 : memref<10240x16xf32, #tpu.memory_space<vmem_shared>>) dst(%arg11 : memref<1000x16xf32, #tpu.memory_space<vmem>>)
    %dma_start3A_160 = arith.constant 7000 : i32
    %dma_start3A_161 = tpu.memref_slice %arg7[%dma_start3A_160] : memref<10000xi32, #tpu.memory_space<vmem>> -> memref<1000xi32, #tpu.memory_space<vmem>>
    %dma_start3A_162 = arith.constant 0 : i32
    %dma_start3A_163 = arith.constant 0 : i32
    %dma_start3A_164 = tpu.memref_slice %arg20[%dma_start3A_162, %dma_start3A_163] : memref<10240x16xf32, #tpu.memory_space<vmem_shared>> -> memref<10240x16xf32, #tpu.memory_space<vmem_shared>>
    tpu.enqueue_indirect_dma source(%arg11 : memref<1000x16xf32, #tpu.memory_space<vmem>>) target(%dma_start3A_164 : memref<10240x16xf32, #tpu.memory_space<vmem_shared>>) offsets(%dma_start3A_161 : memref<1000xi32, #tpu.memory_space<vmem>>) semaphore(%arg19 : memref<!tpu.dma_semaphore, #tpu.memory_space<semaphore_mem>>) {add = true}
    %dma_wait3A_165 = arith.constant 8000 : i32
    %dma_wait3A_166 = tpu.memref_slice %arg6[%dma_wait3A_165] : memref<10000xi32, #tpu.memory_space<vmem>> -> memref<1000xi32, #tpu.memory_space<vmem>>
    %dma_wait3A_167 = arith.constant 0 : i32
    %dma_wait3A_168 = arith.constant 0 : i32
    %dma_wait3A_169 = tpu.memref_slice %arg21[%dma_wait3A_167, %dma_wait3A_168] : memref<10240x16xf32, #tpu.memory_space<vmem_shared>> -> memref<10240x16xf32, #tpu.memory_space<vmem_shared>>
    tpu.wait_indirect_dma semaphore(%arg12 : memref<!tpu.dma_semaphore, #tpu.memory_space<semaphore_mem>>) src(%dma_wait3A_169 : memref<10240x16xf32, #tpu.memory_space<vmem_shared>>) dst(%arg8 : memref<1000x16xf32, #tpu.memory_space<vmem>>)
    %dma_start3A_170 = arith.constant 8000 : i32
    %dma_start3A_171 = tpu.memref_slice %arg7[%dma_start3A_170] : memref<10000xi32, #tpu.memory_space<vmem>> -> memref<1000xi32, #tpu.memory_space<vmem>>
    %dma_start3A_172 = arith.constant 0 : i32
    %dma_start3A_173 = arith.constant 0 : i32
    %dma_start3A_174 = tpu.memref_slice %arg20[%dma_start3A_172, %dma_start3A_173] : memref<10240x16xf32, #tpu.memory_space<vmem_shared>> -> memref<10240x16xf32, #tpu.memory_space<vmem_shared>>
    tpu.enqueue_indirect_dma source(%arg8 : memref<1000x16xf32, #tpu.memory_space<vmem>>) target(%dma_start3A_174 : memref<10240x16xf32, #tpu.memory_space<vmem_shared>>) offsets(%dma_start3A_171 : memref<1000xi32, #tpu.memory_space<vmem>>) semaphore(%arg16 : memref<!tpu.dma_semaphore, #tpu.memory_space<semaphore_mem>>) {add = true}
    %dma_wait3A_175 = arith.constant 9000 : i32
    %dma_wait3A_176 = tpu.memref_slice %arg6[%dma_wait3A_175] : memref<10000xi32, #tpu.memory_space<vmem>> -> memref<1000xi32, #tpu.memory_space<vmem>>
    %dma_wait3A_177 = arith.constant 0 : i32
    %dma_wait3A_178 = arith.constant 0 : i32
    %dma_wait3A_179 = tpu.memref_slice %arg21[%dma_wait3A_177, %dma_wait3A_178] : memref<10240x16xf32, #tpu.memory_space<vmem_shared>> -> memref<10240x16xf32, #tpu.memory_space<vmem_shared>>
    tpu.wait_indirect_dma semaphore(%arg13 : memref<!tpu.dma_semaphore, #tpu.memory_space<semaphore_mem>>) src(%dma_wait3A_179 : memref<10240x16xf32, #tpu.memory_space<vmem_shared>>) dst(%arg9 : memref<1000x16xf32, #tpu.memory_space<vmem>>)
    %dma_start3A_180 = arith.constant 9000 : i32
    %dma_start3A_181 = tpu.memref_slice %arg7[%dma_start3A_180] : memref<10000xi32, #tpu.memory_space<vmem>> -> memref<1000xi32, #tpu.memory_space<vmem>>
    %dma_start3A_182 = arith.constant 0 : i32
    %dma_start3A_183 = arith.constant 0 : i32
    %dma_start3A_184 = tpu.memref_slice %arg20[%dma_start3A_182, %dma_start3A_183] : memref<10240x16xf32, #tpu.memory_space<vmem_shared>> -> memref<10240x16xf32, #tpu.memory_space<vmem_shared>>
    tpu.enqueue_indirect_dma source(%arg9 : memref<1000x16xf32, #tpu.memory_space<vmem>>) target(%dma_start3A_184 : memref<10240x16xf32, #tpu.memory_space<vmem_shared>>) offsets(%dma_start3A_181 : memref<1000xi32, #tpu.memory_space<vmem>>) semaphore(%arg17 : memref<!tpu.dma_semaphore, #tpu.memory_space<semaphore_mem>>) {add = true}
    %dma_wait3A_185 = arith.constant 6000 : i32
    %dma_wait3A_186 = tpu.memref_slice %arg7[%dma_wait3A_185] : memref<10000xi32, #tpu.memory_space<vmem>> -> memref<1000xi32, #tpu.memory_space<vmem>>
    %dma_wait3A_187 = arith.constant 0 : i32
    %dma_wait3A_188 = arith.constant 0 : i32
    %dma_wait3A_189 = tpu.memref_slice %arg20[%dma_wait3A_187, %dma_wait3A_188] : memref<10240x16xf32, #tpu.memory_space<vmem_shared>> -> memref<10240x16xf32, #tpu.memory_space<vmem_shared>>
    tpu.wait_indirect_dma semaphore(%arg18 : memref<!tpu.dma_semaphore, #tpu.memory_space<semaphore_mem>>) src(%arg10 : memref<1000x16xf32, #tpu.memory_space<vmem>>) dst(%dma_wait3A_189 : memref<10240x16xf32, #tpu.memory_space<vmem_shared>>)
    %dma_wait3A_190 = arith.constant 7000 : i32
    %dma_wait3A_191 = tpu.memref_slice %arg7[%dma_wait3A_190] : memref<10000xi32, #tpu.memory_space<vmem>> -> memref<1000xi32, #tpu.memory_space<vmem>>
    %dma_wait3A_192 = arith.constant 0 : i32
    %dma_wait3A_193 = arith.constant 0 : i32
    %dma_wait3A_194 = tpu.memref_slice %arg20[%dma_wait3A_192, %dma_wait3A_193] : memref<10240x16xf32, #tpu.memory_space<vmem_shared>> -> memref<10240x16xf32, #tpu.memory_space<vmem_shared>>
    tpu.wait_indirect_dma semaphore(%arg19 : memref<!tpu.dma_semaphore, #tpu.memory_space<semaphore_mem>>) src(%arg11 : memref<1000x16xf32, #tpu.memory_space<vmem>>) dst(%dma_wait3A_194 : memref<10240x16xf32, #tpu.memory_space<vmem_shared>>)
    %dma_wait3A_195 = arith.constant 8000 : i32
    %dma_wait3A_196 = tpu.memref_slice %arg7[%dma_wait3A_195] : memref<10000xi32, #tpu.memory_space<vmem>> -> memref<1000xi32, #tpu.memory_space<vmem>>
    %dma_wait3A_197 = arith.constant 0 : i32
    %dma_wait3A_198 = arith.constant 0 : i32
    %dma_wait3A_199 = tpu.memref_slice %arg20[%dma_wait3A_197, %dma_wait3A_198] : memref<10240x16xf32, #tpu.memory_space<vmem_shared>> -> memref<10240x16xf32, #tpu.memory_space<vmem_shared>>
    tpu.wait_indirect_dma semaphore(%arg16 : memref<!tpu.dma_semaphore, #tpu.memory_space<semaphore_mem>>) src(%arg8 : memref<1000x16xf32, #tpu.memory_space<vmem>>) dst(%dma_wait3A_199 : memref<10240x16xf32, #tpu.memory_space<vmem_shared>>)
    %dma_wait3A_200 = arith.constant 9000 : i32
    %dma_wait3A_201 = tpu.memref_slice %arg7[%dma_wait3A_200] : memref<10000xi32, #tpu.memory_space<vmem>> -> memref<1000xi32, #tpu.memory_space<vmem>>
    %dma_wait3A_202 = arith.constant 0 : i32
    %dma_wait3A_203 = arith.constant 0 : i32
    %dma_wait3A_204 = tpu.memref_slice %arg20[%dma_wait3A_202, %dma_wait3A_203] : memref<10240x16xf32, #tpu.memory_space<vmem_shared>> -> memref<10240x16xf32, #tpu.memory_space<vmem_shared>>
    tpu.wait_indirect_dma semaphore(%arg17 : memref<!tpu.dma_semaphore, #tpu.memory_space<semaphore_mem>>) src(%arg9 : memref<1000x16xf32, #tpu.memory_space<vmem>>) dst(%dma_wait3A_204 : memref<10240x16xf32, #tpu.memory_space<vmem_shared>>)
    %barrier3A_205 = arith.constant 0 : index
    tpu.barrier barrier_id(%barrier3A_205)
    "tpu.region"() ({
      %run_scoped3A = tpu.sem_alloc : memref<!tpu.dma_semaphore, #tpu.memory_space<semaphore_mem>>
      %dma_start3A_206 = arith.constant 0 : i32
      %dma_start3A_207 = tpu.memref_slice %arg5[%arg0, %mul3A_2, %dma_start3A_206] : memref<2x10240x16xf32, #tpu.memory_space<hbm>> -> memref<1x640x16xf32, #tpu.memory_space<hbm>>
      %dma_start3A_208 = tpu.memref_squeeze %dma_start3A_207 : memref<1x640x16xf32, #tpu.memory_space<hbm>> -> memref<640x16xf32, #tpu.memory_space<hbm>>
      %dma_start3A_209 = arith.constant 0 : i32
      %dma_start3A_210 = tpu.memref_slice %arg20[%mul3A_2, %dma_start3A_209] : memref<10240x16xf32, #tpu.memory_space<vmem_shared>> -> memref<640x16xf32, #tpu.memory_space<vmem_shared>>
      tpu.enqueue_dma source(%dma_start3A_210 : memref<640x16xf32, #tpu.memory_space<vmem_shared>>) target(%dma_start3A_208 : memref<640x16xf32, #tpu.memory_space<hbm>>) target_semaphore(%run_scoped3A : memref<!tpu.dma_semaphore, #tpu.memory_space<semaphore_mem>>)
      %dma_wait3A_211 = arith.constant 0 : i32
      %dma_wait3A_212 = tpu.memref_slice %arg5[%arg0, %mul3A_2, %dma_wait3A_211] : memref<2x10240x16xf32, #tpu.memory_space<hbm>> -> memref<1x640x16xf32, #tpu.memory_space<hbm>>
      %dma_wait3A_213 = tpu.memref_squeeze %dma_wait3A_212 : memref<1x640x16xf32, #tpu.memory_space<hbm>> -> memref<640x16xf32, #tpu.memory_space<hbm>>
      %dma_wait3A_214 = arith.constant 0 : i32
      %dma_wait3A_215 = tpu.memref_slice %arg20[%mul3A_2, %dma_wait3A_214] : memref<10240x16xf32, #tpu.memory_space<vmem_shared>> -> memref<640x16xf32, #tpu.memory_space<vmem_shared>>
      tpu.wait_dma2 semaphore(%run_scoped3A : memref<!tpu.dma_semaphore, #tpu.memory_space<semaphore_mem>>) src(%dma_wait3A_215 : memref<640x16xf32, #tpu.memory_space<vmem_shared>>) dst(%dma_wait3A_213 : memref<640x16xf32, #tpu.memory_space<hbm>>)
      tpu.yield
    }) : () -> ()
    return
  }
}

#map = affine_map<(d0, d1) -> (0, 0)>
#map1 = affine_map<(d0, d1) -> (0)>
#map2 = affine_map<(d0, d1) -> (0, 0, 0)>
module attributes {stable_mosaic.version = 14 : i64} {
  func.func @_sc_body(%arg0: i32, %arg1: i32, %arg2: memref<10240x16xf32, #tpu.memory_space<hbm>>, %arg3: memref<640000xi32, #tpu.memory_space<hbm>>, %arg4: memref<10240x16xf32, #tpu.memory_space<hbm>>, %arg5: memref<2x10240x16xf32, #tpu.memory_space<hbm>>, %arg6: memref<10000xi32, #tpu.memory_space<vmem>>, %arg7: memref<10000xi32, #tpu.memory_space<vmem>>, %arg8: memref<1000x16xf32, #tpu.memory_space<vmem>>, %arg9: memref<1000x16xf32, #tpu.memory_space<vmem>>, %arg10: memref<1000x16xf32, #tpu.memory_space<vmem>>, %arg11: memref<1000x16xf32, #tpu.memory_space<vmem>>, %arg12: memref<!tpu.dma_semaphore, #tpu.memory_space<semaphore_mem>>, %arg13: memref<!tpu.dma_semaphore, #tpu.memory_space<semaphore_mem>>, %arg14: memref<!tpu.dma_semaphore, #tpu.memory_space<semaphore_mem>>, %arg15: memref<!tpu.dma_semaphore, #tpu.memory_space<semaphore_mem>>, %arg16: memref<!tpu.dma_semaphore, #tpu.memory_space<semaphore_mem>>, %arg17: memref<!tpu.dma_semaphore, #tpu.memory_space<semaphore_mem>>, %arg18: memref<!tpu.dma_semaphore, #tpu.memory_space<semaphore_mem>>, %arg19: memref<!tpu.dma_semaphore, #tpu.memory_space<semaphore_mem>>, %arg20: memref<10240x16xf32, #tpu.memory_space<vmem_shared>>, %arg21: memref<10240x16xf32, #tpu.memory_space<vmem_shared>>) attributes {dimension_semantics = [#tpu.dimension_semantics<core_parallel>, #tpu.dimension_semantics<subcore_parallel>], iteration_bounds = array<i64: 2, 16>, scalar_prefetch = 0 : i64, scratch_operands = 16 : i64, tpu.core_type = #tpu.core_type<sc_vector_subcore>, window_params = [{transform_indices = #map}, {transform_indices = #map1}, {transform_indices = #map}, {transform_indices = #map2}]} {
    %mul3A = arith.constant 2 : i32
    %mul3A_0 = arith.muli %arg1, %mul3A : i32
    %add3A = arith.addi %mul3A_0, %arg0 : i32
    %mul3A_1 = arith.constant 640 : i32
    %mul3A_2 = arith.muli %arg1, %mul3A_1 : i32
    "tpu.region"() ({
      %run_scoped3A = tpu.sem_alloc : memref<!tpu.dma_semaphore, #tpu.memory_space<semaphore_mem>>
      %dma_start3A_206 = arith.constant 0 : i32
      %dma_start3A_207 = tpu.memref_slice %arg20[%mul3A_2, %dma_start3A_206] : memref<10240x16xf32, #tpu.memory_space<vmem_shared>> -> memref<640x16xf32, #tpu.memory_space<vmem_shared>>
      %dma_start3A_208 = arith.constant 0 : i32
      %dma_start3A_209 = tpu.memref_slice %arg4[%mul3A_2, %dma_start3A_208] : memref<10240x16xf32, #tpu.memory_space<hbm>> -> memref<640x16xf32, #tpu.memory_space<hbm>>
      tpu.enqueue_dma source(%dma_start3A_209 : memref<640x16xf32, #tpu.memory_space<hbm>>) target(%dma_start3A_207 : memref<640x16xf32, #tpu.memory_space<vmem_shared>>) target_semaphore(%run_scoped3A : memref<!tpu.dma_semaphore, #tpu.memory_space<semaphore_mem>>)
      %dma_wait3A_210 = arith.constant 0 : i32
      %dma_wait3A_211 = tpu.memref_slice %arg20[%mul3A_2, %dma_wait3A_210] : memref<10240x16xf32, #tpu.memory_space<vmem_shared>> -> memref<640x16xf32, #tpu.memory_space<vmem_shared>>
      %dma_wait3A_212 = arith.constant 0 : i32
      %dma_wait3A_213 = tpu.memref_slice %arg4[%mul3A_2, %dma_wait3A_212] : memref<10240x16xf32, #tpu.memory_space<hbm>> -> memref<640x16xf32, #tpu.memory_space<hbm>>
      tpu.wait_dma2 semaphore(%run_scoped3A : memref<!tpu.dma_semaphore, #tpu.memory_space<semaphore_mem>>) src(%dma_wait3A_213 : memref<640x16xf32, #tpu.memory_space<hbm>>) dst(%dma_wait3A_211 : memref<640x16xf32, #tpu.memory_space<vmem_shared>>)
      tpu.yield
    }) : () -> ()
    "tpu.region"() ({
      %run_scoped3A = tpu.sem_alloc : memref<!tpu.dma_semaphore, #tpu.memory_space<semaphore_mem>>
      %dma_start3A_206 = arith.constant 0 : i32
      %dma_start3A_207 = tpu.memref_slice %arg21[%mul3A_2, %dma_start3A_206] : memref<10240x16xf32, #tpu.memory_space<vmem_shared>> -> memref<640x16xf32, #tpu.memory_space<vmem_shared>>
      %dma_start3A_208 = arith.constant 0 : i32
      %dma_start3A_209 = tpu.memref_slice %arg2[%mul3A_2, %dma_start3A_208] : memref<10240x16xf32, #tpu.memory_space<hbm>> -> memref<640x16xf32, #tpu.memory_space<hbm>>
      tpu.enqueue_dma source(%dma_start3A_209 : memref<640x16xf32, #tpu.memory_space<hbm>>) target(%dma_start3A_207 : memref<640x16xf32, #tpu.memory_space<vmem_shared>>) target_semaphore(%run_scoped3A : memref<!tpu.dma_semaphore, #tpu.memory_space<semaphore_mem>>)
      %dma_wait3A_210 = arith.constant 0 : i32
      %dma_wait3A_211 = tpu.memref_slice %arg21[%mul3A_2, %dma_wait3A_210] : memref<10240x16xf32, #tpu.memory_space<vmem_shared>> -> memref<640x16xf32, #tpu.memory_space<vmem_shared>>
      %dma_wait3A_212 = arith.constant 0 : i32
      %dma_wait3A_213 = tpu.memref_slice %arg2[%mul3A_2, %dma_wait3A_212] : memref<10240x16xf32, #tpu.memory_space<hbm>> -> memref<640x16xf32, #tpu.memory_space<hbm>>
      tpu.wait_dma2 semaphore(%run_scoped3A : memref<!tpu.dma_semaphore, #tpu.memory_space<semaphore_mem>>) src(%dma_wait3A_213 : memref<640x16xf32, #tpu.memory_space<hbm>>) dst(%dma_wait3A_211 : memref<640x16xf32, #tpu.memory_space<vmem_shared>>)
      tpu.yield
    }) : () -> ()
    %mul3A_3 = arith.constant 10000 : i32
    %mul3A_4 = arith.muli %add3A, %mul3A_3 : i32
    "tpu.region"() ({
      %run_scoped3A = tpu.sem_alloc : memref<!tpu.dma_semaphore, #tpu.memory_space<semaphore_mem>>
      %dma_start3A_206 = tpu.memref_slice %arg3[%mul3A_4] : memref<640000xi32, #tpu.memory_space<hbm>> -> memref<10000xi32, #tpu.memory_space<hbm>>
      %dma_start3A_207 = tpu.memref_slice %arg3[%mul3A_4] : memref<640000xi32, #tpu.memory_space<hbm>> -> memref<10000xi32, #tpu.memory_space<hbm>>
      tpu.enqueue_dma source(%dma_start3A_207 : memref<10000xi32, #tpu.memory_space<hbm>>) target(%arg6 : memref<10000xi32, #tpu.memory_space<vmem>>) target_semaphore(%run_scoped3A : memref<!tpu.dma_semaphore, #tpu.memory_space<semaphore_mem>>)
      %dma_wait3A_208 = tpu.memref_slice %arg3[%mul3A_4] : memref<640000xi32, #tpu.memory_space<hbm>> -> memref<10000xi32, #tpu.memory_space<hbm>>
      %dma_wait3A_209 = tpu.memref_slice %arg3[%mul3A_4] : memref<640000xi32, #tpu.memory_space<hbm>> -> memref<10000xi32, #tpu.memory_space<hbm>>
      tpu.wait_dma2 semaphore(%run_scoped3A : memref<!tpu.dma_semaphore, #tpu.memory_space<semaphore_mem>>) src(%dma_wait3A_209 : memref<10000xi32, #tpu.memory_space<hbm>>) dst(%arg6 : memref<10000xi32, #tpu.memory_space<vmem>>)
      tpu.yield
    }) : () -> ()
    %add3A_5 = arith.constant 320000 : i32
    %add3A_6 = arith.addi %add3A_5, %mul3A_4 : i32
    "tpu.region"() ({
      %run_scoped3A = tpu.sem_alloc : memref<!tpu.dma_semaphore, #tpu.memory_space<semaphore_mem>>
      %dma_start3A_206 = tpu.memref_slice %arg3[%add3A_6] : memref<640000xi32, #tpu.memory_space<hbm>> -> memref<10000xi32, #tpu.memory_space<hbm>>
      %dma_start3A_207 = tpu.memref_slice %arg3[%add3A_6] : memref<640000xi32, #tpu.memory_space<hbm>> -> memref<10000xi32, #tpu.memory_space<hbm>>
      tpu.enqueue_dma source(%dma_start3A_207 : memref<10000xi32, #tpu.memory_space<hbm>>) target(%arg7 : memref<10000xi32, #tpu.memory_space<vmem>>) target_semaphore(%run_scoped3A : memref<!tpu.dma_semaphore, #tpu.memory_space<semaphore_mem>>)
      %dma_wait3A_208 = tpu.memref_slice %arg3[%add3A_6] : memref<640000xi32, #tpu.memory_space<hbm>> -> memref<10000xi32, #tpu.memory_space<hbm>>
      %dma_wait3A_209 = tpu.memref_slice %arg3[%add3A_6] : memref<640000xi32, #tpu.memory_space<hbm>> -> memref<10000xi32, #tpu.memory_space<hbm>>
      tpu.wait_dma2 semaphore(%run_scoped3A : memref<!tpu.dma_semaphore, #tpu.memory_space<semaphore_mem>>) src(%dma_wait3A_209 : memref<10000xi32, #tpu.memory_space<hbm>>) dst(%arg7 : memref<10000xi32, #tpu.memory_space<vmem>>)
      tpu.yield
    }) : () -> ()
    %barrier3A = arith.constant 0 : index
    tpu.barrier barrier_id(%barrier3A)
    %dma_start3A = arith.constant 0 : i32
    %dma_start3A_7 = tpu.memref_slice %arg6[%dma_start3A] : memref<10000xi32, #tpu.memory_space<vmem>> -> memref<1000xi32, #tpu.memory_space<vmem>>
    %dma_start3A_8 = arith.constant 0 : i32
    %dma_start3A_9 = arith.constant 0 : i32
    %dma_start3A_10 = tpu.memref_slice %arg21[%dma_start3A_8, %dma_start3A_9] : memref<10240x16xf32, #tpu.memory_space<vmem_shared>> -> memref<10240x16xf32, #tpu.memory_space<vmem_shared>>
    tpu.enqueue_indirect_dma source(%dma_start3A_10 : memref<10240x16xf32, #tpu.memory_space<vmem_shared>>) target(%arg8 : memref<1000x16xf32, #tpu.memory_space<vmem>>) offsets(%dma_start3A_7 : memref<1000xi32, #tpu.memory_space<vmem>>) semaphore(%arg12 : memref<!tpu.dma_semaphore, #tpu.memory_space<semaphore_mem>>)
    %dma_start3A_11 = arith.constant 1000 : i32
    %dma_start3A_12 = tpu.memref_slice %arg6[%dma_start3A_11] : memref<10000xi32, #tpu.memory_space<vmem>> -> memref<1000xi32, #tpu.memory_space<vmem>>
    %dma_start3A_13 = arith.constant 0 : i32
    %dma_start3A_14 = arith.constant 0 : i32
    %dma_start3A_15 = tpu.memref_slice %arg21[%dma_start3A_13, %dma_start3A_14] : memref<10240x16xf32, #tpu.memory_space<vmem_shared>> -> memref<10240x16xf32, #tpu.memory_space<vmem_shared>>
    tpu.enqueue_indirect_dma source(%dma_start3A_15 : memref<10240x16xf32, #tpu.memory_space<vmem_shared>>) target(%arg9 : memref<1000x16xf32, #tpu.memory_space<vmem>>) offsets(%dma_start3A_12 : memref<1000xi32, #tpu.memory_space<vmem>>) semaphore(%arg13 : memref<!tpu.dma_semaphore, #tpu.memory_space<semaphore_mem>>)
    %dma_start3A_16 = arith.constant 2000 : i32
    %dma_start3A_17 = tpu.memref_slice %arg6[%dma_start3A_16] : memref<10000xi32, #tpu.memory_space<vmem>> -> memref<1000xi32, #tpu.memory_space<vmem>>
    %dma_start3A_18 = arith.constant 0 : i32
    %dma_start3A_19 = arith.constant 0 : i32
    %dma_start3A_20 = tpu.memref_slice %arg21[%dma_start3A_18, %dma_start3A_19] : memref<10240x16xf32, #tpu.memory_space<vmem_shared>> -> memref<10240x16xf32, #tpu.memory_space<vmem_shared>>
    tpu.enqueue_indirect_dma source(%dma_start3A_20 : memref<10240x16xf32, #tpu.memory_space<vmem_shared>>) target(%arg10 : memref<1000x16xf32, #tpu.memory_space<vmem>>) offsets(%dma_start3A_17 : memref<1000xi32, #tpu.memory_space<vmem>>) semaphore(%arg14 : memref<!tpu.dma_semaphore, #tpu.memory_space<semaphore_mem>>)
    %dma_wait3A = arith.constant 0 : i32
    %dma_wait3A_21 = tpu.memref_slice %arg6[%dma_wait3A] : memref<10000xi32, #tpu.memory_space<vmem>> -> memref<1000xi32, #tpu.memory_space<vmem>>
    %dma_wait3A_22 = arith.constant 0 : i32
    %dma_wait3A_23 = arith.constant 0 : i32
    %dma_wait3A_24 = tpu.memref_slice %arg21[%dma_wait3A_22, %dma_wait3A_23] : memref<10240x16xf32, #tpu.memory_space<vmem_shared>> -> memref<10240x16xf32, #tpu.memory_space<vmem_shared>>
    tpu.wait_indirect_dma semaphore(%arg12 : memref<!tpu.dma_semaphore, #tpu.memory_space<semaphore_mem>>) src(%dma_wait3A_24 : memref<10240x16xf32, #tpu.memory_space<vmem_shared>>) dst(%arg8 : memref<1000x16xf32, #tpu.memory_space<vmem>>)
    %dma_start3A_25 = arith.constant 0 : i32
    %dma_start3A_26 = tpu.memref_slice %arg7[%dma_start3A_25] : memref<10000xi32, #tpu.memory_space<vmem>> -> memref<1000xi32, #tpu.memory_space<vmem>>
    %dma_start3A_27 = arith.constant 0 : i32
    %dma_start3A_28 = arith.constant 0 : i32
    %dma_start3A_29 = tpu.memref_slice %arg20[%dma_start3A_27, %dma_start3A_28] : memref<10240x16xf32, #tpu.memory_space<vmem_shared>> -> memref<10240x16xf32, #tpu.memory_space<vmem_shared>>
    tpu.enqueue_indirect_dma source(%arg8 : memref<1000x16xf32, #tpu.memory_space<vmem>>) target(%dma_start3A_29 : memref<10240x16xf32, #tpu.memory_space<vmem_shared>>) offsets(%dma_start3A_26 : memref<1000xi32, #tpu.memory_space<vmem>>) semaphore(%arg16 : memref<!tpu.dma_semaphore, #tpu.memory_space<semaphore_mem>>) {add = true}
    %dma_start3A_30 = arith.constant 3000 : i32
    %dma_start3A_31 = tpu.memref_slice %arg6[%dma_start3A_30] : memref<10000xi32, #tpu.memory_space<vmem>> -> memref<1000xi32, #tpu.memory_space<vmem>>
    %dma_start3A_32 = arith.constant 0 : i32
    %dma_start3A_33 = arith.constant 0 : i32
    %dma_start3A_34 = tpu.memref_slice %arg21[%dma_start3A_32, %dma_start3A_33] : memref<10240x16xf32, #tpu.memory_space<vmem_shared>> -> memref<10240x16xf32, #tpu.memory_space<vmem_shared>>
    tpu.enqueue_indirect_dma source(%dma_start3A_34 : memref<10240x16xf32, #tpu.memory_space<vmem_shared>>) target(%arg11 : memref<1000x16xf32, #tpu.memory_space<vmem>>) offsets(%dma_start3A_31 : memref<1000xi32, #tpu.memory_space<vmem>>) semaphore(%arg15 : memref<!tpu.dma_semaphore, #tpu.memory_space<semaphore_mem>>)
    %dma_wait3A_35 = arith.constant 1000 : i32
    %dma_wait3A_36 = tpu.memref_slice %arg6[%dma_wait3A_35] : memref<10000xi32, #tpu.memory_space<vmem>> -> memref<1000xi32, #tpu.memory_space<vmem>>
    %dma_wait3A_37 = arith.constant 0 : i32
    %dma_wait3A_38 = arith.constant 0 : i32
    %dma_wait3A_39 = tpu.memref_slice %arg21[%dma_wait3A_37, %dma_wait3A_38] : memref<10240x16xf32, #tpu.memory_space<vmem_shared>> -> memref<10240x16xf32, #tpu.memory_space<vmem_shared>>
    tpu.wait_indirect_dma semaphore(%arg13 : memref<!tpu.dma_semaphore, #tpu.memory_space<semaphore_mem>>) src(%dma_wait3A_39 : memref<10240x16xf32, #tpu.memory_space<vmem_shared>>) dst(%arg9 : memref<1000x16xf32, #tpu.memory_space<vmem>>)
    %dma_start3A_40 = arith.constant 1000 : i32
    %dma_start3A_41 = tpu.memref_slice %arg7[%dma_start3A_40] : memref<10000xi32, #tpu.memory_space<vmem>> -> memref<1000xi32, #tpu.memory_space<vmem>>
    %dma_start3A_42 = arith.constant 0 : i32
    %dma_start3A_43 = arith.constant 0 : i32
    %dma_start3A_44 = tpu.memref_slice %arg20[%dma_start3A_42, %dma_start3A_43] : memref<10240x16xf32, #tpu.memory_space<vmem_shared>> -> memref<10240x16xf32, #tpu.memory_space<vmem_shared>>
    tpu.enqueue_indirect_dma source(%arg9 : memref<1000x16xf32, #tpu.memory_space<vmem>>) target(%dma_start3A_44 : memref<10240x16xf32, #tpu.memory_space<vmem_shared>>) offsets(%dma_start3A_41 : memref<1000xi32, #tpu.memory_space<vmem>>) semaphore(%arg17 : memref<!tpu.dma_semaphore, #tpu.memory_space<semaphore_mem>>) {add = true}
    %dma_wait3A_45 = arith.constant 0 : i32
    %dma_wait3A_46 = tpu.memref_slice %arg7[%dma_wait3A_45] : memref<10000xi32, #tpu.memory_space<vmem>> -> memref<1000xi32, #tpu.memory_space<vmem>>
    %dma_wait3A_47 = arith.constant 0 : i32
    %dma_wait3A_48 = arith.constant 0 : i32
    %dma_wait3A_49 = tpu.memref_slice %arg20[%dma_wait3A_47, %dma_wait3A_48] : memref<10240x16xf32, #tpu.memory_space<vmem_shared>> -> memref<10240x16xf32, #tpu.memory_space<vmem_shared>>
    tpu.wait_indirect_dma semaphore(%arg16 : memref<!tpu.dma_semaphore, #tpu.memory_space<semaphore_mem>>) src(%arg8 : memref<1000x16xf32, #tpu.memory_space<vmem>>) dst(%dma_wait3A_49 : memref<10240x16xf32, #tpu.memory_space<vmem_shared>>)
    %dma_start3A_50 = arith.constant 4000 : i32
    %dma_start3A_51 = tpu.memref_slice %arg6[%dma_start3A_50] : memref<10000xi32, #tpu.memory_space<vmem>> -> memref<1000xi32, #tpu.memory_space<vmem>>
    %dma_start3A_52 = arith.constant 0 : i32
    %dma_start3A_53 = arith.constant 0 : i32
    %dma_start3A_54 = tpu.memref_slice %arg21[%dma_start3A_52, %dma_start3A_53] : memref<10240x16xf32, #tpu.memory_space<vmem_shared>> -> memref<10240x16xf32, #tpu.memory_space<vmem_shared>>
    tpu.enqueue_indirect_dma source(%dma_start3A_54 : memref<10240x16xf32, #tpu.memory_space<vmem_shared>>) target(%arg8 : memref<1000x16xf32, #tpu.memory_space<vmem>>) offsets(%dma_start3A_51 : memref<1000xi32, #tpu.memory_space<vmem>>) semaphore(%arg12 : memref<!tpu.dma_semaphore, #tpu.memory_space<semaphore_mem>>)
    %dma_wait3A_55 = arith.constant 2000 : i32
    %dma_wait3A_56 = tpu.memref_slice %arg6[%dma_wait3A_55] : memref<10000xi32, #tpu.memory_space<vmem>> -> memref<1000xi32, #tpu.memory_space<vmem>>
    %dma_wait3A_57 = arith.constant 0 : i32
    %dma_wait3A_58 = arith.constant 0 : i32
    %dma_wait3A_59 = tpu.memref_slice %arg21[%dma_wait3A_57, %dma_wait3A_58] : memref<10240x16xf32, #tpu.memory_space<vmem_shared>> -> memref<10240x16xf32, #tpu.memory_space<vmem_shared>>
    tpu.wait_indirect_dma semaphore(%arg14 : memref<!tpu.dma_semaphore, #tpu.memory_space<semaphore_mem>>) src(%dma_wait3A_59 : memref<10240x16xf32, #tpu.memory_space<vmem_shared>>) dst(%arg10 : memref<1000x16xf32, #tpu.memory_space<vmem>>)
    %dma_start3A_60 = arith.constant 2000 : i32
    %dma_start3A_61 = tpu.memref_slice %arg7[%dma_start3A_60] : memref<10000xi32, #tpu.memory_space<vmem>> -> memref<1000xi32, #tpu.memory_space<vmem>>
    %dma_start3A_62 = arith.constant 0 : i32
    %dma_start3A_63 = arith.constant 0 : i32
    %dma_start3A_64 = tpu.memref_slice %arg20[%dma_start3A_62, %dma_start3A_63] : memref<10240x16xf32, #tpu.memory_space<vmem_shared>> -> memref<10240x16xf32, #tpu.memory_space<vmem_shared>>
    tpu.enqueue_indirect_dma source(%arg10 : memref<1000x16xf32, #tpu.memory_space<vmem>>) target(%dma_start3A_64 : memref<10240x16xf32, #tpu.memory_space<vmem_shared>>) offsets(%dma_start3A_61 : memref<1000xi32, #tpu.memory_space<vmem>>) semaphore(%arg18 : memref<!tpu.dma_semaphore, #tpu.memory_space<semaphore_mem>>) {add = true}
    %dma_wait3A_65 = arith.constant 1000 : i32
    %dma_wait3A_66 = tpu.memref_slice %arg7[%dma_wait3A_65] : memref<10000xi32, #tpu.memory_space<vmem>> -> memref<1000xi32, #tpu.memory_space<vmem>>
    %dma_wait3A_67 = arith.constant 0 : i32
    %dma_wait3A_68 = arith.constant 0 : i32
    %dma_wait3A_69 = tpu.memref_slice %arg20[%dma_wait3A_67, %dma_wait3A_68] : memref<10240x16xf32, #tpu.memory_space<vmem_shared>> -> memref<10240x16xf32, #tpu.memory_space<vmem_shared>>
    tpu.wait_indirect_dma semaphore(%arg17 : memref<!tpu.dma_semaphore, #tpu.memory_space<semaphore_mem>>) src(%arg9 : memref<1000x16xf32, #tpu.memory_space<vmem>>) dst(%dma_wait3A_69 : memref<10240x16xf32, #tpu.memory_space<vmem_shared>>)
    %dma_start3A_70 = arith.constant 5000 : i32
    %dma_start3A_71 = tpu.memref_slice %arg6[%dma_start3A_70] : memref<10000xi32, #tpu.memory_space<vmem>> -> memref<1000xi32, #tpu.memory_space<vmem>>
    %dma_start3A_72 = arith.constant 0 : i32
    %dma_start3A_73 = arith.constant 0 : i32
    %dma_start3A_74 = tpu.memref_slice %arg21[%dma_start3A_72, %dma_start3A_73] : memref<10240x16xf32, #tpu.memory_space<vmem_shared>> -> memref<10240x16xf32, #tpu.memory_space<vmem_shared>>
    tpu.enqueue_indirect_dma source(%dma_start3A_74 : memref<10240x16xf32, #tpu.memory_space<vmem_shared>>) target(%arg9 : memref<1000x16xf32, #tpu.memory_space<vmem>>) offsets(%dma_start3A_71 : memref<1000xi32, #tpu.memory_space<vmem>>) semaphore(%arg13 : memref<!tpu.dma_semaphore, #tpu.memory_space<semaphore_mem>>)
    %dma_wait3A_75 = arith.constant 3000 : i32
    %dma_wait3A_76 = tpu.memref_slice %arg6[%dma_wait3A_75] : memref<10000xi32, #tpu.memory_space<vmem>> -> memref<1000xi32, #tpu.memory_space<vmem>>
    %dma_wait3A_77 = arith.constant 0 : i32
    %dma_wait3A_78 = arith.constant 0 : i32
    %dma_wait3A_79 = tpu.memref_slice %arg21[%dma_wait3A_77, %dma_wait3A_78] : memref<10240x16xf32, #tpu.memory_space<vmem_shared>> -> memref<10240x16xf32, #tpu.memory_space<vmem_shared>>
    tpu.wait_indirect_dma semaphore(%arg15 : memref<!tpu.dma_semaphore, #tpu.memory_space<semaphore_mem>>) src(%dma_wait3A_79 : memref<10240x16xf32, #tpu.memory_space<vmem_shared>>) dst(%arg11 : memref<1000x16xf32, #tpu.memory_space<vmem>>)
    %dma_start3A_80 = arith.constant 3000 : i32
    %dma_start3A_81 = tpu.memref_slice %arg7[%dma_start3A_80] : memref<10000xi32, #tpu.memory_space<vmem>> -> memref<1000xi32, #tpu.memory_space<vmem>>
    %dma_start3A_82 = arith.constant 0 : i32
    %dma_start3A_83 = arith.constant 0 : i32
    %dma_start3A_84 = tpu.memref_slice %arg20[%dma_start3A_82, %dma_start3A_83] : memref<10240x16xf32, #tpu.memory_space<vmem_shared>> -> memref<10240x16xf32, #tpu.memory_space<vmem_shared>>
    tpu.enqueue_indirect_dma source(%arg11 : memref<1000x16xf32, #tpu.memory_space<vmem>>) target(%dma_start3A_84 : memref<10240x16xf32, #tpu.memory_space<vmem_shared>>) offsets(%dma_start3A_81 : memref<1000xi32, #tpu.memory_space<vmem>>) semaphore(%arg19 : memref<!tpu.dma_semaphore, #tpu.memory_space<semaphore_mem>>) {add = true}
    %dma_wait3A_85 = arith.constant 2000 : i32
    %dma_wait3A_86 = tpu.memref_slice %arg7[%dma_wait3A_85] : memref<10000xi32, #tpu.memory_space<vmem>> -> memref<1000xi32, #tpu.memory_space<vmem>>
    %dma_wait3A_87 = arith.constant 0 : i32
    %dma_wait3A_88 = arith.constant 0 : i32
    %dma_wait3A_89 = tpu.memref_slice %arg20[%dma_wait3A_87, %dma_wait3A_88] : memref<10240x16xf32, #tpu.memory_space<vmem_shared>> -> memref<10240x16xf32, #tpu.memory_space<vmem_shared>>
    tpu.wait_indirect_dma semaphore(%arg18 : memref<!tpu.dma_semaphore, #tpu.memory_space<semaphore_mem>>) src(%arg10 : memref<1000x16xf32, #tpu.memory_space<vmem>>) dst(%dma_wait3A_89 : memref<10240x16xf32, #tpu.memory_space<vmem_shared>>)
    %dma_start3A_90 = arith.constant 6000 : i32
    %dma_start3A_91 = tpu.memref_slice %arg6[%dma_start3A_90] : memref<10000xi32, #tpu.memory_space<vmem>> -> memref<1000xi32, #tpu.memory_space<vmem>>
    %dma_start3A_92 = arith.constant 0 : i32
    %dma_start3A_93 = arith.constant 0 : i32
    %dma_start3A_94 = tpu.memref_slice %arg21[%dma_start3A_92, %dma_start3A_93] : memref<10240x16xf32, #tpu.memory_space<vmem_shared>> -> memref<10240x16xf32, #tpu.memory_space<vmem_shared>>
    tpu.enqueue_indirect_dma source(%dma_start3A_94 : memref<10240x16xf32, #tpu.memory_space<vmem_shared>>) target(%arg10 : memref<1000x16xf32, #tpu.memory_space<vmem>>) offsets(%dma_start3A_91 : memref<1000xi32, #tpu.memory_space<vmem>>) semaphore(%arg14 : memref<!tpu.dma_semaphore, #tpu.memory_space<semaphore_mem>>)
    %dma_wait3A_95 = arith.constant 4000 : i32
    %dma_wait3A_96 = tpu.memref_slice %arg6[%dma_wait3A_95] : memref<10000xi32, #tpu.memory_space<vmem>> -> memref<1000xi32, #tpu.memory_space<vmem>>
    %dma_wait3A_97 = arith.constant 0 : i32
    %dma_wait3A_98 = arith.constant 0 : i32
    %dma_wait3A_99 = tpu.memref_slice %arg21[%dma_wait3A_97, %dma_wait3A_98] : memref<10240x16xf32, #tpu.memory_space<vmem_shared>> -> memref<10240x16xf32, #tpu.memory_space<vmem_shared>>
    tpu.wait_indirect_dma semaphore(%arg12 : memref<!tpu.dma_semaphore, #tpu.memory_space<semaphore_mem>>) src(%dma_wait3A_99 : memref<10240x16xf32, #tpu.memory_space<vmem_shared>>) dst(%arg8 : memref<1000x16xf32, #tpu.memory_space<vmem>>)
    %dma_start3A_100 = arith.constant 4000 : i32
    %dma_start3A_101 = tpu.memref_slice %arg7[%dma_start3A_100] : memref<10000xi32, #tpu.memory_space<vmem>> -> memref<1000xi32, #tpu.memory_space<vmem>>
    %dma_start3A_102 = arith.constant 0 : i32
    %dma_start3A_103 = arith.constant 0 : i32
    %dma_start3A_104 = tpu.memref_slice %arg20[%dma_start3A_102, %dma_start3A_103] : memref<10240x16xf32, #tpu.memory_space<vmem_shared>> -> memref<10240x16xf32, #tpu.memory_space<vmem_shared>>
    tpu.enqueue_indirect_dma source(%arg8 : memref<1000x16xf32, #tpu.memory_space<vmem>>) target(%dma_start3A_104 : memref<10240x16xf32, #tpu.memory_space<vmem_shared>>) offsets(%dma_start3A_101 : memref<1000xi32, #tpu.memory_space<vmem>>) semaphore(%arg16 : memref<!tpu.dma_semaphore, #tpu.memory_space<semaphore_mem>>) {add = true}
    %dma_wait3A_105 = arith.constant 3000 : i32
    %dma_wait3A_106 = tpu.memref_slice %arg7[%dma_wait3A_105] : memref<10000xi32, #tpu.memory_space<vmem>> -> memref<1000xi32, #tpu.memory_space<vmem>>
    %dma_wait3A_107 = arith.constant 0 : i32
    %dma_wait3A_108 = arith.constant 0 : i32
    %dma_wait3A_109 = tpu.memref_slice %arg20[%dma_wait3A_107, %dma_wait3A_108] : memref<10240x16xf32, #tpu.memory_space<vmem_shared>> -> memref<10240x16xf32, #tpu.memory_space<vmem_shared>>
    tpu.wait_indirect_dma semaphore(%arg19 : memref<!tpu.dma_semaphore, #tpu.memory_space<semaphore_mem>>) src(%arg11 : memref<1000x16xf32, #tpu.memory_space<vmem>>) dst(%dma_wait3A_109 : memref<10240x16xf32, #tpu.memory_space<vmem_shared>>)
    %dma_start3A_110 = arith.constant 7000 : i32
    %dma_start3A_111 = tpu.memref_slice %arg6[%dma_start3A_110] : memref<10000xi32, #tpu.memory_space<vmem>> -> memref<1000xi32, #tpu.memory_space<vmem>>
    %dma_start3A_112 = arith.constant 0 : i32
    %dma_start3A_113 = arith.constant 0 : i32
    %dma_start3A_114 = tpu.memref_slice %arg21[%dma_start3A_112, %dma_start3A_113] : memref<10240x16xf32, #tpu.memory_space<vmem_shared>> -> memref<10240x16xf32, #tpu.memory_space<vmem_shared>>
    tpu.enqueue_indirect_dma source(%dma_start3A_114 : memref<10240x16xf32, #tpu.memory_space<vmem_shared>>) target(%arg11 : memref<1000x16xf32, #tpu.memory_space<vmem>>) offsets(%dma_start3A_111 : memref<1000xi32, #tpu.memory_space<vmem>>) semaphore(%arg15 : memref<!tpu.dma_semaphore, #tpu.memory_space<semaphore_mem>>)
    %dma_wait3A_115 = arith.constant 5000 : i32
    %dma_wait3A_116 = tpu.memref_slice %arg6[%dma_wait3A_115] : memref<10000xi32, #tpu.memory_space<vmem>> -> memref<1000xi32, #tpu.memory_space<vmem>>
    %dma_wait3A_117 = arith.constant 0 : i32
    %dma_wait3A_118 = arith.constant 0 : i32
    %dma_wait3A_119 = tpu.memref_slice %arg21[%dma_wait3A_117, %dma_wait3A_118] : memref<10240x16xf32, #tpu.memory_space<vmem_shared>> -> memref<10240x16xf32, #tpu.memory_space<vmem_shared>>
    tpu.wait_indirect_dma semaphore(%arg13 : memref<!tpu.dma_semaphore, #tpu.memory_space<semaphore_mem>>) src(%dma_wait3A_119 : memref<10240x16xf32, #tpu.memory_space<vmem_shared>>) dst(%arg9 : memref<1000x16xf32, #tpu.memory_space<vmem>>)
    %dma_start3A_120 = arith.constant 5000 : i32
    %dma_start3A_121 = tpu.memref_slice %arg7[%dma_start3A_120] : memref<10000xi32, #tpu.memory_space<vmem>> -> memref<1000xi32, #tpu.memory_space<vmem>>
    %dma_start3A_122 = arith.constant 0 : i32
    %dma_start3A_123 = arith.constant 0 : i32
    %dma_start3A_124 = tpu.memref_slice %arg20[%dma_start3A_122, %dma_start3A_123] : memref<10240x16xf32, #tpu.memory_space<vmem_shared>> -> memref<10240x16xf32, #tpu.memory_space<vmem_shared>>
    tpu.enqueue_indirect_dma source(%arg9 : memref<1000x16xf32, #tpu.memory_space<vmem>>) target(%dma_start3A_124 : memref<10240x16xf32, #tpu.memory_space<vmem_shared>>) offsets(%dma_start3A_121 : memref<1000xi32, #tpu.memory_space<vmem>>) semaphore(%arg17 : memref<!tpu.dma_semaphore, #tpu.memory_space<semaphore_mem>>) {add = true}
    %dma_wait3A_125 = arith.constant 4000 : i32
    %dma_wait3A_126 = tpu.memref_slice %arg7[%dma_wait3A_125] : memref<10000xi32, #tpu.memory_space<vmem>> -> memref<1000xi32, #tpu.memory_space<vmem>>
    %dma_wait3A_127 = arith.constant 0 : i32
    %dma_wait3A_128 = arith.constant 0 : i32
    %dma_wait3A_129 = tpu.memref_slice %arg20[%dma_wait3A_127, %dma_wait3A_128] : memref<10240x16xf32, #tpu.memory_space<vmem_shared>> -> memref<10240x16xf32, #tpu.memory_space<vmem_shared>>
    tpu.wait_indirect_dma semaphore(%arg16 : memref<!tpu.dma_semaphore, #tpu.memory_space<semaphore_mem>>) src(%arg8 : memref<1000x16xf32, #tpu.memory_space<vmem>>) dst(%dma_wait3A_129 : memref<10240x16xf32, #tpu.memory_space<vmem_shared>>)
    %dma_start3A_130 = arith.constant 8000 : i32
    %dma_start3A_131 = tpu.memref_slice %arg6[%dma_start3A_130] : memref<10000xi32, #tpu.memory_space<vmem>> -> memref<1000xi32, #tpu.memory_space<vmem>>
    %dma_start3A_132 = arith.constant 0 : i32
    %dma_start3A_133 = arith.constant 0 : i32
    %dma_start3A_134 = tpu.memref_slice %arg21[%dma_start3A_132, %dma_start3A_133] : memref<10240x16xf32, #tpu.memory_space<vmem_shared>> -> memref<10240x16xf32, #tpu.memory_space<vmem_shared>>
    tpu.enqueue_indirect_dma source(%dma_start3A_134 : memref<10240x16xf32, #tpu.memory_space<vmem_shared>>) target(%arg8 : memref<1000x16xf32, #tpu.memory_space<vmem>>) offsets(%dma_start3A_131 : memref<1000xi32, #tpu.memory_space<vmem>>) semaphore(%arg12 : memref<!tpu.dma_semaphore, #tpu.memory_space<semaphore_mem>>)
    %dma_wait3A_135 = arith.constant 6000 : i32
    %dma_wait3A_136 = tpu.memref_slice %arg6[%dma_wait3A_135] : memref<10000xi32, #tpu.memory_space<vmem>> -> memref<1000xi32, #tpu.memory_space<vmem>>
    %dma_wait3A_137 = arith.constant 0 : i32
    %dma_wait3A_138 = arith.constant 0 : i32
    %dma_wait3A_139 = tpu.memref_slice %arg21[%dma_wait3A_137, %dma_wait3A_138] : memref<10240x16xf32, #tpu.memory_space<vmem_shared>> -> memref<10240x16xf32, #tpu.memory_space<vmem_shared>>
    tpu.wait_indirect_dma semaphore(%arg14 : memref<!tpu.dma_semaphore, #tpu.memory_space<semaphore_mem>>) src(%dma_wait3A_139 : memref<10240x16xf32, #tpu.memory_space<vmem_shared>>) dst(%arg10 : memref<1000x16xf32, #tpu.memory_space<vmem>>)
    %dma_start3A_140 = arith.constant 6000 : i32
    %dma_start3A_141 = tpu.memref_slice %arg7[%dma_start3A_140] : memref<10000xi32, #tpu.memory_space<vmem>> -> memref<1000xi32, #tpu.memory_space<vmem>>
    %dma_start3A_142 = arith.constant 0 : i32
    %dma_start3A_143 = arith.constant 0 : i32
    %dma_start3A_144 = tpu.memref_slice %arg20[%dma_start3A_142, %dma_start3A_143] : memref<10240x16xf32, #tpu.memory_space<vmem_shared>> -> memref<10240x16xf32, #tpu.memory_space<vmem_shared>>
    tpu.enqueue_indirect_dma source(%arg10 : memref<1000x16xf32, #tpu.memory_space<vmem>>) target(%dma_start3A_144 : memref<10240x16xf32, #tpu.memory_space<vmem_shared>>) offsets(%dma_start3A_141 : memref<1000xi32, #tpu.memory_space<vmem>>) semaphore(%arg18 : memref<!tpu.dma_semaphore, #tpu.memory_space<semaphore_mem>>) {add = true}
    %dma_wait3A_145 = arith.constant 5000 : i32
    %dma_wait3A_146 = tpu.memref_slice %arg7[%dma_wait3A_145] : memref<10000xi32, #tpu.memory_space<vmem>> -> memref<1000xi32, #tpu.memory_space<vmem>>
    %dma_wait3A_147 = arith.constant 0 : i32
    %dma_wait3A_148 = arith.constant 0 : i32
    %dma_wait3A_149 = tpu.memref_slice %arg20[%dma_wait3A_147, %dma_wait3A_148] : memref<10240x16xf32, #tpu.memory_space<vmem_shared>> -> memref<10240x16xf32, #tpu.memory_space<vmem_shared>>
    tpu.wait_indirect_dma semaphore(%arg17 : memref<!tpu.dma_semaphore, #tpu.memory_space<semaphore_mem>>) src(%arg9 : memref<1000x16xf32, #tpu.memory_space<vmem>>) dst(%dma_wait3A_149 : memref<10240x16xf32, #tpu.memory_space<vmem_shared>>)
    %dma_start3A_150 = arith.constant 9000 : i32
    %dma_start3A_151 = tpu.memref_slice %arg6[%dma_start3A_150] : memref<10000xi32, #tpu.memory_space<vmem>> -> memref<1000xi32, #tpu.memory_space<vmem>>
    %dma_start3A_152 = arith.constant 0 : i32
    %dma_start3A_153 = arith.constant 0 : i32
    %dma_start3A_154 = tpu.memref_slice %arg21[%dma_start3A_152, %dma_start3A_153] : memref<10240x16xf32, #tpu.memory_space<vmem_shared>> -> memref<10240x16xf32, #tpu.memory_space<vmem_shared>>
    tpu.enqueue_indirect_dma source(%dma_start3A_154 : memref<10240x16xf32, #tpu.memory_space<vmem_shared>>) target(%arg9 : memref<1000x16xf32, #tpu.memory_space<vmem>>) offsets(%dma_start3A_151 : memref<1000xi32, #tpu.memory_space<vmem>>) semaphore(%arg13 : memref<!tpu.dma_semaphore, #tpu.memory_space<semaphore_mem>>)
    %dma_wait3A_155 = arith.constant 7000 : i32
    %dma_wait3A_156 = tpu.memref_slice %arg6[%dma_wait3A_155] : memref<10000xi32, #tpu.memory_space<vmem>> -> memref<1000xi32, #tpu.memory_space<vmem>>
    %dma_wait3A_157 = arith.constant 0 : i32
    %dma_wait3A_158 = arith.constant 0 : i32
    %dma_wait3A_159 = tpu.memref_slice %arg21[%dma_wait3A_157, %dma_wait3A_158] : memref<10240x16xf32, #tpu.memory_space<vmem_shared>> -> memref<10240x16xf32, #tpu.memory_space<vmem_shared>>
    tpu.wait_indirect_dma semaphore(%arg15 : memref<!tpu.dma_semaphore, #tpu.memory_space<semaphore_mem>>) src(%dma_wait3A_159 : memref<10240x16xf32, #tpu.memory_space<vmem_shared>>) dst(%arg11 : memref<1000x16xf32, #tpu.memory_space<vmem>>)
    %dma_start3A_160 = arith.constant 7000 : i32
    %dma_start3A_161 = tpu.memref_slice %arg7[%dma_start3A_160] : memref<10000xi32, #tpu.memory_space<vmem>> -> memref<1000xi32, #tpu.memory_space<vmem>>
    %dma_start3A_162 = arith.constant 0 : i32
    %dma_start3A_163 = arith.constant 0 : i32
    %dma_start3A_164 = tpu.memref_slice %arg20[%dma_start3A_162, %dma_start3A_163] : memref<10240x16xf32, #tpu.memory_space<vmem_shared>> -> memref<10240x16xf32, #tpu.memory_space<vmem_shared>>
    tpu.enqueue_indirect_dma source(%arg11 : memref<1000x16xf32, #tpu.memory_space<vmem>>) target(%dma_start3A_164 : memref<10240x16xf32, #tpu.memory_space<vmem_shared>>) offsets(%dma_start3A_161 : memref<1000xi32, #tpu.memory_space<vmem>>) semaphore(%arg19 : memref<!tpu.dma_semaphore, #tpu.memory_space<semaphore_mem>>) {add = true}
    %dma_wait3A_165 = arith.constant 8000 : i32
    %dma_wait3A_166 = tpu.memref_slice %arg6[%dma_wait3A_165] : memref<10000xi32, #tpu.memory_space<vmem>> -> memref<1000xi32, #tpu.memory_space<vmem>>
    %dma_wait3A_167 = arith.constant 0 : i32
    %dma_wait3A_168 = arith.constant 0 : i32
    %dma_wait3A_169 = tpu.memref_slice %arg21[%dma_wait3A_167, %dma_wait3A_168] : memref<10240x16xf32, #tpu.memory_space<vmem_shared>> -> memref<10240x16xf32, #tpu.memory_space<vmem_shared>>
    tpu.wait_indirect_dma semaphore(%arg12 : memref<!tpu.dma_semaphore, #tpu.memory_space<semaphore_mem>>) src(%dma_wait3A_169 : memref<10240x16xf32, #tpu.memory_space<vmem_shared>>) dst(%arg8 : memref<1000x16xf32, #tpu.memory_space<vmem>>)
    %dma_start3A_170 = arith.constant 8000 : i32
    %dma_start3A_171 = tpu.memref_slice %arg7[%dma_start3A_170] : memref<10000xi32, #tpu.memory_space<vmem>> -> memref<1000xi32, #tpu.memory_space<vmem>>
    %dma_start3A_172 = arith.constant 0 : i32
    %dma_start3A_173 = arith.constant 0 : i32
    %dma_start3A_174 = tpu.memref_slice %arg20[%dma_start3A_172, %dma_start3A_173] : memref<10240x16xf32, #tpu.memory_space<vmem_shared>> -> memref<10240x16xf32, #tpu.memory_space<vmem_shared>>
    tpu.enqueue_indirect_dma source(%arg8 : memref<1000x16xf32, #tpu.memory_space<vmem>>) target(%dma_start3A_174 : memref<10240x16xf32, #tpu.memory_space<vmem_shared>>) offsets(%dma_start3A_171 : memref<1000xi32, #tpu.memory_space<vmem>>) semaphore(%arg16 : memref<!tpu.dma_semaphore, #tpu.memory_space<semaphore_mem>>) {add = true}
    %dma_wait3A_175 = arith.constant 9000 : i32
    %dma_wait3A_176 = tpu.memref_slice %arg6[%dma_wait3A_175] : memref<10000xi32, #tpu.memory_space<vmem>> -> memref<1000xi32, #tpu.memory_space<vmem>>
    %dma_wait3A_177 = arith.constant 0 : i32
    %dma_wait3A_178 = arith.constant 0 : i32
    %dma_wait3A_179 = tpu.memref_slice %arg21[%dma_wait3A_177, %dma_wait3A_178] : memref<10240x16xf32, #tpu.memory_space<vmem_shared>> -> memref<10240x16xf32, #tpu.memory_space<vmem_shared>>
    tpu.wait_indirect_dma semaphore(%arg13 : memref<!tpu.dma_semaphore, #tpu.memory_space<semaphore_mem>>) src(%dma_wait3A_179 : memref<10240x16xf32, #tpu.memory_space<vmem_shared>>) dst(%arg9 : memref<1000x16xf32, #tpu.memory_space<vmem>>)
    %dma_start3A_180 = arith.constant 9000 : i32
    %dma_start3A_181 = tpu.memref_slice %arg7[%dma_start3A_180] : memref<10000xi32, #tpu.memory_space<vmem>> -> memref<1000xi32, #tpu.memory_space<vmem>>
    %dma_start3A_182 = arith.constant 0 : i32
    %dma_start3A_183 = arith.constant 0 : i32
    %dma_start3A_184 = tpu.memref_slice %arg20[%dma_start3A_182, %dma_start3A_183] : memref<10240x16xf32, #tpu.memory_space<vmem_shared>> -> memref<10240x16xf32, #tpu.memory_space<vmem_shared>>
    tpu.enqueue_indirect_dma source(%arg9 : memref<1000x16xf32, #tpu.memory_space<vmem>>) target(%dma_start3A_184 : memref<10240x16xf32, #tpu.memory_space<vmem_shared>>) offsets(%dma_start3A_181 : memref<1000xi32, #tpu.memory_space<vmem>>) semaphore(%arg17 : memref<!tpu.dma_semaphore, #tpu.memory_space<semaphore_mem>>) {add = true}
    %dma_wait3A_185 = arith.constant 6000 : i32
    %dma_wait3A_186 = tpu.memref_slice %arg7[%dma_wait3A_185] : memref<10000xi32, #tpu.memory_space<vmem>> -> memref<1000xi32, #tpu.memory_space<vmem>>
    %dma_wait3A_187 = arith.constant 0 : i32
    %dma_wait3A_188 = arith.constant 0 : i32
    %dma_wait3A_189 = tpu.memref_slice %arg20[%dma_wait3A_187, %dma_wait3A_188] : memref<10240x16xf32, #tpu.memory_space<vmem_shared>> -> memref<10240x16xf32, #tpu.memory_space<vmem_shared>>
    tpu.wait_indirect_dma semaphore(%arg18 : memref<!tpu.dma_semaphore, #tpu.memory_space<semaphore_mem>>) src(%arg10 : memref<1000x16xf32, #tpu.memory_space<vmem>>) dst(%dma_wait3A_189 : memref<10240x16xf32, #tpu.memory_space<vmem_shared>>)
    %dma_wait3A_190 = arith.constant 7000 : i32
    %dma_wait3A_191 = tpu.memref_slice %arg7[%dma_wait3A_190] : memref<10000xi32, #tpu.memory_space<vmem>> -> memref<1000xi32, #tpu.memory_space<vmem>>
    %dma_wait3A_192 = arith.constant 0 : i32
    %dma_wait3A_193 = arith.constant 0 : i32
    %dma_wait3A_194 = tpu.memref_slice %arg20[%dma_wait3A_192, %dma_wait3A_193] : memref<10240x16xf32, #tpu.memory_space<vmem_shared>> -> memref<10240x16xf32, #tpu.memory_space<vmem_shared>>
    tpu.wait_indirect_dma semaphore(%arg19 : memref<!tpu.dma_semaphore, #tpu.memory_space<semaphore_mem>>) src(%arg11 : memref<1000x16xf32, #tpu.memory_space<vmem>>) dst(%dma_wait3A_194 : memref<10240x16xf32, #tpu.memory_space<vmem_shared>>)
    %dma_wait3A_195 = arith.constant 8000 : i32
    %dma_wait3A_196 = tpu.memref_slice %arg7[%dma_wait3A_195] : memref<10000xi32, #tpu.memory_space<vmem>> -> memref<1000xi32, #tpu.memory_space<vmem>>
    %dma_wait3A_197 = arith.constant 0 : i32
    %dma_wait3A_198 = arith.constant 0 : i32
    %dma_wait3A_199 = tpu.memref_slice %arg20[%dma_wait3A_197, %dma_wait3A_198] : memref<10240x16xf32, #tpu.memory_space<vmem_shared>> -> memref<10240x16xf32, #tpu.memory_space<vmem_shared>>
    tpu.wait_indirect_dma semaphore(%arg16 : memref<!tpu.dma_semaphore, #tpu.memory_space<semaphore_mem>>) src(%arg8 : memref<1000x16xf32, #tpu.memory_space<vmem>>) dst(%dma_wait3A_199 : memref<10240x16xf32, #tpu.memory_space<vmem_shared>>)
    %dma_wait3A_200 = arith.constant 9000 : i32
    %dma_wait3A_201 = tpu.memref_slice %arg7[%dma_wait3A_200] : memref<10000xi32, #tpu.memory_space<vmem>> -> memref<1000xi32, #tpu.memory_space<vmem>>
    %dma_wait3A_202 = arith.constant 0 : i32
    %dma_wait3A_203 = arith.constant 0 : i32
    %dma_wait3A_204 = tpu.memref_slice %arg20[%dma_wait3A_202, %dma_wait3A_203] : memref<10240x16xf32, #tpu.memory_space<vmem_shared>> -> memref<10240x16xf32, #tpu.memory_space<vmem_shared>>
    tpu.wait_indirect_dma semaphore(%arg17 : memref<!tpu.dma_semaphore, #tpu.memory_space<semaphore_mem>>) src(%arg9 : memref<1000x16xf32, #tpu.memory_space<vmem>>) dst(%dma_wait3A_204 : memref<10240x16xf32, #tpu.memory_space<vmem_shared>>)
    %barrier3A_205 = arith.constant 0 : index
    tpu.barrier barrier_id(%barrier3A_205)
    "tpu.region"() ({
      %run_scoped3A = tpu.sem_alloc : memref<!tpu.dma_semaphore, #tpu.memory_space<semaphore_mem>>
      %dma_start3A_206 = arith.constant 0 : i32
      %dma_start3A_207 = tpu.memref_slice %arg5[%arg0, %mul3A_2, %dma_start3A_206] : memref<2x10240x16xf32, #tpu.memory_space<hbm>> -> memref<1x640x16xf32, #tpu.memory_space<hbm>>
      %dma_start3A_208 = tpu.memref_squeeze %dma_start3A_207 : memref<1x640x16xf32, #tpu.memory_space<hbm>> -> memref<640x16xf32, #tpu.memory_space<hbm>>
      %dma_start3A_209 = arith.constant 0 : i32
      %dma_start3A_210 = tpu.memref_slice %arg20[%mul3A_2, %dma_start3A_209] : memref<10240x16xf32, #tpu.memory_space<vmem_shared>> -> memref<640x16xf32, #tpu.memory_space<vmem_shared>>
      tpu.enqueue_dma source(%dma_start3A_210 : memref<640x16xf32, #tpu.memory_space<vmem_shared>>) target(%dma_start3A_208 : memref<640x16xf32, #tpu.memory_space<hbm>>) target_semaphore(%run_scoped3A : memref<!tpu.dma_semaphore, #tpu.memory_space<semaphore_mem>>)
      %dma_wait3A_211 = arith.constant 0 : i32
      %dma_wait3A_212 = tpu.memref_slice %arg5[%arg0, %mul3A_2, %dma_wait3A_211] : memref<2x10240x16xf32, #tpu.memory_space<hbm>> -> memref<1x640x16xf32, #tpu.memory_space<hbm>>
      %dma_wait3A_213 = tpu.memref_squeeze %dma_wait3A_212 : memref<1x640x16xf32, #tpu.memory_space<hbm>> -> memref<640x16xf32, #tpu.memory_space<hbm>>
      %dma_wait3A_214 = arith.constant 0 : i32
      %dma_wait3A_215 = tpu.memref_slice %arg20[%mul3A_2, %dma_wait3A_214] : memref<10240x16xf32, #tpu.memory_space<vmem_shared>> -> memref<640x16xf32, #tpu.memory_space<vmem_shared>>
      tpu.wait_dma2 semaphore(%run_scoped3A : memref<!tpu.dma_semaphore, #tpu.memory_space<semaphore_mem>>) src(%dma_wait3A_215 : memref<640x16xf32, #tpu.memory_space<vmem_shared>>) dst(%dma_wait3A_213 : memref<640x16xf32, #tpu.memory_space<hbm>>)
      tpu.yield
    }) : () -> ()
    return
  }
}

module attributes {stable_mosaic.version = 14 : i64} {
  func.func @_tc1_body(%arg0: memref<1280x1024xf32, #tpu.memory_space<vmem>>, %arg1: memref<1024x256xf32, #tpu.memory_space<vmem>>, %arg2: memref<1x16xf32, #tpu.memory_space<vmem>>, %arg3: memref<1280x128xf32, #tpu.memory_space<vmem>>, %arg4: memref<1280x128xf32, #tpu.memory_space<vmem>>) attributes {dimension_semantics = [], scalar_prefetch = 0 : i64, scratch_operands = 0 : i64, tpu.core_type = #tpu.core_type<tc>} {
    %get3A = arith.constant 0 : index
    %get3A_0 = arith.constant 0 : index
    %get3A_1 = vector.load %arg0[%get3A, %get3A_0] : memref<1280x1024xf32, #tpu.memory_space<vmem>>, vector<1280x1024xf32>
    %get3A_2 = arith.constant 0 : index
    %get3A_3 = arith.constant 0 : index
    %get3A_4 = vector.load %arg1[%get3A_2, %get3A_3] : memref<1024x256xf32, #tpu.memory_space<vmem>>, vector<1024x256xf32>
    %dot_general3A = arith.constant dense<0.000000e+00> : vector<1280x256xf32>
    %dot_general3A_5 = tpu.matmul %get3A_1, %get3A_4, %dot_general3A {dimension_numbers = #tpu.dot_dimension_numbers<[1], [0], [0], [1], [0, 0, 1, 1], [], []>, transpose_lhs_hint = false} : vector<1280x1024xf32>, vector<1024x256xf32>, vector<1280x256xf32> -> vector<1280x256xf32>
    %slice3A = vector.extract_strided_slice %dot_general3A_5 {offsets = [0, 0], sizes = [1280, 128], strides = [1, 1]} : vector<1280x256xf32> to vector<1280x128xf32>
    %swap3A = arith.constant 0 : index
    %swap3A_6 = arith.constant 0 : index
    %swap3A_7 = vector.load %arg3[%swap3A, %swap3A_6] : memref<1280x128xf32, #tpu.memory_space<vmem>>, vector<1280x128xf32>
    tpu.vector_store %arg3[%swap3A, %swap3A_6], %slice3A {strides = array<i32>} : memref<1280x128xf32, #tpu.memory_space<vmem>>, vector<1280x128xf32>,
    %slice3A_8 = vector.extract_strided_slice %dot_general3A_5 {offsets = [0, 128], sizes = [1280, 128], strides = [1, 1]} : vector<1280x256xf32> to vector<1280x128xf32>
    %get3A_9 = arith.constant 0 : index
    %get3A_10 = arith.constant 0 : index
    %get3A_11 = vector.load %arg2[%get3A_9, %get3A_10] : memref<1x16xf32, #tpu.memory_space<vmem>>, vector<1x16xf32>
    %concatenate3A = tpu.concatenate %get3A_11, %get3A_11, %get3A_11, %get3A_11, %get3A_11, %get3A_11, %get3A_11, %get3A_11 in 1 : vector<1x16xf32>, vector<1x16xf32>, vector<1x16xf32>, vector<1x16xf32>, vector<1x16xf32>, vector<1x16xf32>, vector<1x16xf32>, vector<1x16xf32> -> vector<1x128xf32>
    %add3A = vector.broadcast %concatenate3A : vector<1x128xf32> to vector<1280x128xf32>
    %add3A_12 = arith.addf %slice3A_8, %add3A : vector<1280x128xf32>
    %swap3A_13 = arith.constant 0 : index
    %swap3A_14 = arith.constant 0 : index
    %swap3A_15 = vector.load %arg4[%swap3A_13, %swap3A_14] : memref<1280x128xf32, #tpu.memory_space<vmem>>, vector<1280x128xf32>
    tpu.vector_store %arg4[%swap3A_13, %swap3A_14], %add3A_12 {strides = array<i32>} : memref<1280x128xf32, #tpu.memory_space<vmem>>, vector<1280x128xf32>,
    return
  }
}

module attributes {stable_mosaic.version = 14 : i64} {
  func.func @_tc2_body(%arg0: memref<2x1280x128xf32, #tpu.memory_space<vmem>>, %arg1: memref<1280x128xf32, #tpu.memory_space<vmem>>, %arg2: memref<128x256xf32, #tpu.memory_space<vmem>>, %arg3: memref<1x16xf32, #tpu.memory_space<vmem>>, %arg4: memref<1280x128xf32, #tpu.memory_space<vmem>>, %arg5: memref<1280x128xf32, #tpu.memory_space<vmem>>) attributes {dimension_semantics = [], scalar_prefetch = 0 : i64, scratch_operands = 0 : i64, tpu.core_type = #tpu.core_type<tc>} {
    %get3A = arith.constant 0 : index
    %get3A_0 = arith.constant 0 : index
    %get3A_1 = arith.constant 0 : index
    %get3A_2 = vector.load %arg0[%get3A, %get3A_0, %get3A_1] : memref<2x1280x128xf32, #tpu.memory_space<vmem>>, vector<1x1280x128xf32>
    %get3A_3 = vector.shape_cast %get3A_2 : vector<1x1280x128xf32> to vector<1280x128xf32>
    %get3A_4 = arith.constant 1 : index
    %get3A_5 = arith.constant 0 : index
    %get3A_6 = arith.constant 0 : index
    %get3A_7 = vector.load %arg0[%get3A_4, %get3A_5, %get3A_6] : memref<2x1280x128xf32, #tpu.memory_space<vmem>>, vector<1x1280x128xf32>
    %get3A_8 = vector.shape_cast %get3A_7 : vector<1x1280x128xf32> to vector<1280x128xf32>
    %add3A = arith.addf %get3A_3, %get3A_8 : vector<1280x128xf32>
    %get3A_9 = arith.constant 0 : index
    %get3A_10 = arith.constant 0 : index
    %get3A_11 = vector.load %arg1[%get3A_9, %get3A_10] : memref<1280x128xf32, #tpu.memory_space<vmem>>, vector<1280x128xf32>
    %add3A_12 = arith.addf %add3A, %get3A_11 : vector<1280x128xf32>
    %max3A = arith.constant 0.000000e+00 : f32
    %max3A_13 = vector.broadcast %max3A : f32 to vector<1280x128xf32>
    %max3A_14 = arith.maximumf %add3A_12, %max3A_13 : vector<1280x128xf32>
    %get3A_15 = arith.constant 0 : index
    %get3A_16 = arith.constant 0 : index
    %get3A_17 = vector.load %arg2[%get3A_15, %get3A_16] : memref<128x256xf32, #tpu.memory_space<vmem>>, vector<128x256xf32>
    %dot_general3A = arith.constant dense<0.000000e+00> : vector<1280x256xf32>
    %dot_general3A_18 = tpu.matmul %max3A_14, %get3A_17, %dot_general3A {dimension_numbers = #tpu.dot_dimension_numbers<[1], [0], [0], [1], [0, 0, 1, 1], [], []>, transpose_lhs_hint = false} : vector<1280x128xf32>, vector<128x256xf32>, vector<1280x256xf32> -> vector<1280x256xf32>
    %slice3A = vector.extract_strided_slice %dot_general3A_18 {offsets = [0, 0], sizes = [1280, 128], strides = [1, 1]} : vector<1280x256xf32> to vector<1280x128xf32>
    %swap3A = arith.constant 0 : index
    %swap3A_19 = arith.constant 0 : index
    %swap3A_20 = vector.load %arg4[%swap3A, %swap3A_19] : memref<1280x128xf32, #tpu.memory_space<vmem>>, vector<1280x128xf32>
    tpu.vector_store %arg4[%swap3A, %swap3A_19], %slice3A {strides = array<i32>} : memref<1280x128xf32, #tpu.memory_space<vmem>>, vector<1280x128xf32>,
    %slice3A_21 = vector.extract_strided_slice %dot_general3A_18 {offsets = [0, 128], sizes = [1280, 128], strides = [1, 1]} : vector<1280x256xf32> to vector<1280x128xf32>
    %get3A_22 = arith.constant 0 : index
    %get3A_23 = arith.constant 0 : index
    %get3A_24 = vector.load %arg3[%get3A_22, %get3A_23] : memref<1x16xf32, #tpu.memory_space<vmem>>, vector<1x16xf32>
    %concatenate3A = tpu.concatenate %get3A_24, %get3A_24, %get3A_24, %get3A_24, %get3A_24, %get3A_24, %get3A_24, %get3A_24 in 1 : vector<1x16xf32>, vector<1x16xf32>, vector<1x16xf32>, vector<1x16xf32>, vector<1x16xf32>, vector<1x16xf32>, vector<1x16xf32>, vector<1x16xf32> -> vector<1x128xf32>
    %add3A_25 = vector.broadcast %concatenate3A : vector<1x128xf32> to vector<1280x128xf32>
    %add3A_26 = arith.addf %slice3A_21, %add3A_25 : vector<1280x128xf32>
    %swap3A_27 = arith.constant 0 : index
    %swap3A_28 = arith.constant 0 : index
    %swap3A_29 = vector.load %arg5[%swap3A_27, %swap3A_28] : memref<1280x128xf32, #tpu.memory_space<vmem>>, vector<1280x128xf32>
    tpu.vector_store %arg5[%swap3A_27, %swap3A_28], %add3A_26 {strides = array<i32>} : memref<1280x128xf32, #tpu.memory_space<vmem>>, vector<1280x128xf32>,
    return
  }
}

module attributes {stable_mosaic.version = 14 : i64} {
  func.func @_tc3_body(%arg0: memref<2x1280x128xf32, #tpu.memory_space<vmem>>, %arg1: memref<1280x128xf32, #tpu.memory_space<vmem>>, %arg2: memref<1250x128xf32, #tpu.memory_space<vmem>>) attributes {dimension_semantics = [], scalar_prefetch = 0 : i64, scratch_operands = 0 : i64, tpu.core_type = #tpu.core_type<tc>} {
    %get3A = arith.constant 0 : index
    %get3A_0 = arith.constant 0 : index
    %get3A_1 = arith.constant 0 : index
    %get3A_2 = vector.load %arg0[%get3A, %get3A_0, %get3A_1] : memref<2x1280x128xf32, #tpu.memory_space<vmem>>, vector<1x1250x128xf32>
    %get3A_3 = vector.shape_cast %get3A_2 : vector<1x1250x128xf32> to vector<1250x128xf32>
    %get3A_4 = arith.constant 1 : index
    %get3A_5 = arith.constant 0 : index
    %get3A_6 = arith.constant 0 : index
    %get3A_7 = vector.load %arg0[%get3A_4, %get3A_5, %get3A_6] : memref<2x1280x128xf32, #tpu.memory_space<vmem>>, vector<1x1250x128xf32>
    %get3A_8 = vector.shape_cast %get3A_7 : vector<1x1250x128xf32> to vector<1250x128xf32>
    %add3A = arith.addf %get3A_3, %get3A_8 : vector<1250x128xf32>
    %get3A_9 = arith.constant 0 : index
    %get3A_10 = arith.constant 0 : index
    %get3A_11 = vector.load %arg1[%get3A_9, %get3A_10] : memref<1280x128xf32, #tpu.memory_space<vmem>>, vector<1250x128xf32>
    %add3A_12 = arith.addf %add3A, %get3A_11 : vector<1250x128xf32>
    %max3A = arith.constant 0.000000e+00 : f32
    %max3A_13 = vector.broadcast %max3A : f32 to vector<1250x128xf32>
    %max3A_14 = arith.maximumf %add3A_12, %max3A_13 : vector<1250x128xf32>
    %swap3A = arith.constant 0 : index
    %swap3A_15 = arith.constant 0 : index
    %swap3A_16 = vector.load %arg2[%swap3A, %swap3A_15] : memref<1250x128xf32, #tpu.memory_space<vmem>>, vector<1250x128xf32>
    tpu.vector_store %arg2[%swap3A, %swap3A_15], %max3A_14 {strides = array<i32>} : memref<1250x128xf32, #tpu.memory_space<vmem>>, vector<1250x128xf32>,
    return
  }
}

</mosaic_0001>

<sc_bundles>
// kernel: kernel.10.cloned.1.call-start
scs
__scs_entry_jumppad:
0x0: {  	(pc) =	sbr.rel $0x88, $3  }
0x1: {  	(tag) =	ssettag $0x0;
	lr =	simm.s32 $0x1  }
0x2: {  	[smem:$0x3F99] =	sst lr;
	_ =	strace $0xD0000000  }
0x3: {  	_ = 	snop  }
0x4: {  	_ = 	snop  }
0x5: {  	_ = 	snop  }
0x6: {  	_ = 	snop  }
0x7: {  	_ = 	snop  }
__scs_overlays_trampoline_lowered:
0x8: {  	[smem:$0x3FA8] =	sst s0  }
0x9: {  	[smem:$0x3FA9] =	sst s1  }
0xa: {  	[smem:$0x3FAA] =	sst s2  }
0xb: {  	[smem:$0x3FAB] =	sst s3  }
0xc: {  	[smem:$0x3FAC] =	sst s4  }
0xd: {  	[smem:$0x3FAD] =	sst s5  }
0xe: {  	[smem:$0x3FAE] =	sst s6  }
0xf: {  	[smem:$0x3FAF] =	sst s7  }
0x10: {  	[smem:$0x3FB0] =	sst s8  }
0x11: {  	[smem:$0x3FB1] =	sst s9;
	s0 =	simm.s32 @!p0 $0x0  }
0x12: {  	s1 =	sld [smem:$0x3F97];
	s0 =	simm.s32 @p0 $0x1  }
0x13: {  	[smem:$0x3FB2] =	sst s0;
	s0 =	simm.s32 @!p1 $0x0  }
0x14: {  	s2 =	sld [smem:$0x3F96];
	s0 =	simm.s32 @p1 $0x1  }
0x15: {  	[smem:$0x3FB3] =	sst s0;
	s0 =	simm.s32 @!p2 $0x0  }
0x16: {  	s3 =	sld [smem:$0x3FDB];
	s0 =	simm.s32 @p2 $0x1  }
0x17: {  	s4 =	simm.s32 $0x1BF5;
	[smem:$0x3FB5] =	sst s0  }
0x18: {  	s0 =	sld [smem:$0x3F98];
	_ =	swait.ge [sflag:s4], $0x0  }
0x19: {  	s7 =	sld [smem:$0x3F99]  }
0x1a: {  	s8 =	sadd.s32 $0xFFFFE003, lr  }
0x1b: {  	s9 =	sadd.s32 $0xFFFFFEF7, lr;
	s5 =	simm.s32 $0xFFFFFFFF;
	p2 =	slt.u32 s8, $0xFFFFF086  }
0x1c: {  	p1 =	slt.u32 s9, $0xF7A;
	s5 =	simm.s32 @!p2 $0x0  }
0x1d: {  	s5 =	simm.s32 @p1 $0x1;
	p0 =	seq.s32 s7, s2  }
0x1e: {  	s7 =	smul.u32 @!p0 $0xF7A, s2;
	p2 =	seq.s32 @!p0 s5, $0x0  }
0x1f: {  	s9 =	smul.u32 $0xF7A, s1;
	s8 =	simm.s32 @!p0 $0x1BF5;
	p2 =	por !p2, p0  }
0x20: {  	[sflag:s8] =	ssyncset.s32 @!p0 $0xFFFFF086;
	s6 =	sadd.s32 @!p0 s3, s7;
	s7 =	simm.s32 @!p0 $0x108  }
0x21: {  	s3 =	sadd.s32 s3, s9;
	s6 =	sadd.s32 @!p0 $0x88, s6;
	s7 =	simm.s32 @p2 $0x1082  }
0x22: {  	[simem:s7], [sflag:s8] =	dma.local @!p0 [hbm:s6], $0xF7A  }
0x23: {  	s9 =	sor.u32 $0xD0000000, s2;
	s6 =	simm.s32 $0x108;
	_ =	swait.ge @!p0 [sflag:s8], $0x0  }
0x24: {  	s3 =	sadd.s32 $0x88, s3;
	s6 =	simm.s32 @!p1 $0x1082;
	[sflag:s4] =	ssyncset.s32 $0xFFFFF086  }
0x25: {  	[simem:s6], [sflag:s4] =	dma.local [hbm:s3], $0xF7A  }
0x26: {  	[smem:$0x3F99] =	sst s1;
	(tag) =	ssettag s2;
	_ =	strace s9  }
0x27: {  	s1 =	sld [smem:$0x3FA9]  }
0x28: {  	s2 =	sld [smem:$0x3FAA]  }
0x29: {  	s4 =	sld [smem:$0x3FAC]  }
0x2a: {  	p0 =	seq.s32 s5, $0x0;
	s5 =	sld [smem:$0x3FAD]  }
0x2b: {  	s6 =	sld [smem:$0x3FAE]  }
0x2c: {  	s7 =	sld [smem:$0x3FAF]  }
0x2d: {  	s3 =	simm.s32 $0x108;
	s8 =	sld [smem:$0x3FB0]  }
0x2e: {  	s3 =	simm.s32 @!p0 $0x1082;
	s9 =	sld [smem:$0x3FB1]  }
0x2f: {  	lr =	sadd.s32 s0, s3;
	s0 =	sld [smem:$0x3FA8]  }
0x30: {  	s3 =	sld [smem:$0x3FAB]  }
0x31: {  	[smem:$0x3FB4] =	sst s10  }
0x32: {  	s10 =	sld [smem:$0x3FB2];
	_ =	sdelay $0x3  }
0x33: {  	p0 =	seq.s32 s10, $0x1;
	s10 =	sld [smem:$0x3FB4];
	_ =	sdelay $0x3  }
0x34: {  	[smem:$0x3FB4] =	sst s10  }
0x35: {  	s10 =	sld [smem:$0x3FB3];
	_ =	sdelay $0x3  }
0x36: {  	p1 =	seq.s32 s10, $0x1;
	s10 =	sld [smem:$0x3FB4];
	_ =	sdelay $0x3  }
0x37: {  	[smem:$0x3FB4] =	sst s10  }
0x38: {  	s10 =	sld [smem:$0x3FB5]  }
0x39: {  	_ = 	snop;
	(pc) =	sbr.ind lr, $3  }
0x3a: {  	_ = 	snop  }
0x3b: {  	_ = 	snop  }
0x3c: {  	p2 =	seq.s32 s10, $0x1;
	s10 =	sld [smem:$0x3FB4]  }
0x3d: {  	_ =	shalt  }
0x3e: {  	_ =	shalt  }
0x3f: {  	_ =	shalt  }
0x40: {  	_ =	shalt  }
0x41: {  	_ =	shalt  }
0x42: {  	_ =	shalt  }
0x43: {  	_ =	shalt  }
0x44: {  	_ =	shalt  }
0x45: {  	_ =	shalt  }
0x46: {  	_ =	shalt  }
0x47: {  	_ =	shalt  }
0x48: {  	_ =	shalt  }
0x49: {  	_ =	shalt  }
0x4a: {  	_ =	shalt  }
0x4b: {  	_ =	shalt  }
0x4c: {  	_ =	shalt  }
0x4d: {  	_ =	shalt  }
0x4e: {  	_ =	shalt  }
0x4f: {  	_ =	shalt  }
0x50: {  	_ =	shalt  }
0x51: {  	_ =	shalt  }
0x52: {  	_ =	shalt  }
0x53: {  	_ =	shalt  }
0x54: {  	_ =	shalt  }
0x55: {  	_ =	shalt  }
0x56: {  	_ =	shalt  }
0x57: {  	_ =	shalt  }
0x58: {  	_ =	shalt  }
0x59: {  	_ =	shalt  }
0x5a: {  	_ =	shalt  }
0x5b: {  	_ =	shalt  }
0x5c: {  	_ =	shalt  }
0x5d: {  	_ =	shalt  }
0x5e: {  	_ =	shalt  }
0x5f: {  	_ =	shalt  }
0x60: {  	_ =	shalt  }
0x61: {  	_ =	shalt  }
0x62: {  	_ =	shalt  }
0x63: {  	_ =	shalt  }
0x64: {  	_ =	shalt  }
0x65: {  	_ =	shalt  }
0x66: {  	_ =	shalt  }
0x67: {  	_ =	shalt  }
0x68: {  	_ =	shalt  }
0x69: {  	_ =	shalt  }
0x6a: {  	_ =	shalt  }
0x6b: {  	_ =	shalt  }
0x6c: {  	_ =	shalt  }
0x6d: {  	_ =	shalt  }
0x6e: {  	_ =	shalt  }
0x6f: {  	_ =	shalt  }
0x70: {  	_ =	shalt  }
0x71: {  	_ =	shalt  }
0x72: {  	_ =	shalt  }
0x73: {  	_ =	shalt  }
0x74: {  	_ =	shalt  }
0x75: {  	_ =	shalt  }
0x76: {  	_ =	shalt  }
0x77: {  	_ =	shalt  }
0x78: {  	_ =	shalt  }
0x79: {  	_ =	shalt  }
0x7a: {  	_ =	shalt  }
0x7b: {  	_ =	shalt  }
0x7c: {  	_ =	shalt  }
0x7d: {  	_ =	shalt  }
0x7e: {  	_ =	shalt  }
0x7f: {  	_ =	shalt  }
0x80: {  	_ =	shalt  }
0x81: {  	_ =	shalt  }
0x82: {  	_ =	shalt  }
0x83: {  	_ =	shalt  }
0x84: {  	_ =	shalt  }
0x85: {  	_ =	shalt  }
0x86: {  	_ =	shalt  }
0x87: {  	_ =	shalt  }
.Lfunc_end0:
.L_simem_size_0:
called_computation.1_lowered:
.L_overlay_start_0:
0x88: {  	s2 =	sld [smem:$0x3FD9]  }
0x89: {  	s3 =	sld [smem:$0x3FFE];
	_ =	sdelay $0x1  }
0x8a: {  	s1 =	srdreg.scid  }
0x8b: {  	s0 =	sand.u32 $0x1, s1  }
0x8c: {  	s16 =	sshll.u32 s0, $0xA;
	s2 =	sadd.s32 s3, s2  }
0x8d: {  	s2 =	sadd.s32 s2, s16  }
0x8e: {  	[smem:$0x3FC0] =	sst s2  }
0x8f: {  	_ = 	snop  }
0x90: {  	(tm) =	ssettm $0x1  }
0x91: {  	s17 =	sld [smem:$0x3FFB];
	_ =	sdelay $0x3  }
0x92: {  	_ =	strace s17  }
0x93: {  	s2 =	sld [smem:$0x3FFC];
	_ =	sdelay $0x3  }
0x94: {  	_ =	strace s2  }
0x95: {  	s2 =	sld [smem:$0x3FFD];
	_ =	sdelay $0x3  }
0x96: {  	_ =	strace s2  }
0x97: {  	_ =	strace $0x8FFFFFFF  }
0x98: {  	s18 =	sld [smem:$0x3FDB];
	_ =	sdelay $0x1  }
0x99: {  	s19 =	simm.s32 $_scs_section_size  }
0x9a: {  	s4 =	simm.s32 $_size__tile_overlayer_lowered;
	s5 =	simm.s32 $_tile_overlayer_lowered  }
0x9b: {  	s22 =	simm.s32 $0x1BFF;
	s21 =	sshll.u32 s5, $0x1;
	s2 =	sadd.s32 s19, s18  }
0x9c: {  	s6 =	simm.s32 $0x0;
	s20 =	sshll.u32 s4, $0x1;
	s4 =	sadd.s32 s21, s2  }
0x9d: {  	[timem:s6], [sflag:s22] =	dma.local [hbm:s4], s20  }
0x9e: {  	_ =	swait.ge [sflag:s22], s20  }
0x9f: {  	s3 =	ssub.s32 $0x0, s20;
	[sflag:s22] =	ssyncset.done $0x0  }
0xa0: {  	[sflag:s22] =	ssyncadd.s32 s3;
	_ =	sdelay $0x1  }
0xa1: {  	s23 =	simm.s32 $0x1B8B  }
0xa2: {  	_ =	swait.ge [sflag:s23], $0x1  }
0xa3: {  	[sflag:s23] =	ssyncset.done $0x0  }
0xa4: {  	s25 =	simm.s32 $0x1B8E;
	s24 =	sld [smem:$0x3FFE];
	[sflag:s23] =	ssyncadd.s32 $0xFFFFFFFF  }
0xa5: {  	s26 =	simm.s32 $execute0_lowered;
	[smem:$0x3FD2] =	sst s25  }
0xa6: {  	s4 =	sshll.u32 s26, $0x1;
	_ =	strace $0x80000049;
	[dreg:$0x1] =	wrdreg $0xFFFFFFFF  }
0xa7: {  	s28 =	simm.s32 $_size_execute0_lowered;
	s2 =	sadd.s32 s2, s4;
	[dreg:$0x0] =	wrdreg $0x0  }
0xa8: {  	s4 =	sshll.u32 s28, $0x1;
	[dreg:$0x2] =	wrdreg s2  }
0xa9: {  	[dreg:$0x3] =	wrdreg s4  }
0xaa: {  	[dreg:$0x4] =	wrdreg $0xC0  }
0xab: {  	_ =	task [dreg:s6], $0x5FFFF  }
0xac: {  	[dreg:$0x1] =	wrdreg $0xFFFFFFFF  }
0xad: {  	[dreg:$0x0] =	wrdreg $0x60  }
0xae: {  	[dreg:$0x2] =	wrdreg s24  }
0xaf: {  	[dreg:$0x3] =	wrdreg $0x148200  }
0xb0: {  	[dreg:$0x4] =	wrdreg $0x170200  }
0xb1: {  	[dreg:$0x5] =	wrdreg $0x9  }
0xb2: {  	_ =	task.clear_ibuf [dreg:s6], $0x6FFFF;
	_ =	strace $0x90000049  }
0xb3: {  	s29 =	simm.s32 $0x9;
	_ =	strace $0x8000004B  }
0xb4: {  	_ =	swait.ge [sflag:s29], $0x1  }
0xb5: {  	[sflag:s29] =	ssyncadd.s32 $0xFFFFFFFF  }
0xb6: {  	_ =	strace $0x9000004B  }
0xb7: {  	_ =	sfence  }
0xb8: {  	s30 =	sld [smem:$0x0];
	_ =	sdelay $0x2  }
0xb9: {  	s31 =	sshll.u32 s1, $0xD;
	s1 =	sshrl.u32 s1, $0x2  }
0xba: {  	s3 =	sand.u32 $0x4000, s31;
	s1 =	sadd.s32 s1, s30  }
0xbb: {  	s0 =	sor.u32 s3, s0;
	s1 =	sshll.u32 s1, $0x11  }
0xbc: {  	s0 =	sor.u32 s1, s0  }
0xbd: {  	s0 =	sadd.s32 $0x8F2B, s0  }
0xbe: {  	[sflag:s0] =	ssyncadd.remote.s32 $0x1  }
0xbf: {  	_ =	sfence.sel $0xFFFF  }
0xc0: {  	[dreg:$0x0] =	wrdreg $0xFFFFFFFF;
	(pc) =	sbr.abs _section_cstart, $3  }
0xc1: {  	[dreg:$0x1] =	wrdreg $0xFFFFFFFF  }
0xc2: {  	_ =	task.clear_ibuf [dreg:s6], $0x2FFFF;
	_ =	strace $0x9FFFFFFF  }
0xc3: {  	(tm) =	ssettm $0x7FFFFFFF  }
tec
execute0_lowered:
.L_overlay_start_1:
0x0: {  	(tag) =	ssettag $0x1  }
0x1: {  	s1 =	rddreg [dreg:$0x0];
	s21 =	stileid.u32  }
0x2: {  	s3 =	srdreg.scid;
	s2 =	rddreg [dreg:$0x1]  }
0x3: {  	s4 =	rddreg [dreg:$0x2];
	s20 =	simm.s32 $0x0;
	s31 =	simm.s32 $0x2710  }
0x4: {  	s15 =	simm.s32 $0xCB20;
	s12 =	simm.s32 $0x1;
	s14 =	simm.s32 $0x109A0  }
0x5: {  	s13 =	simm.s32 $0x2;
	s11 =	simm.s32 $0xFA0;
	s16 =	simm.s32 $0x1388  }
0x6: {  	s18 =	simm.s32 $0x4;
	s17 =	simm.s32 $0x1770;
	s30 =	simm.s32 $0x36B0  }
0x7: {  	s29 =	simm.s32 $0x1B58;
	p0 =	por $0x0, $0x0;
	s28 =	simm.s32 $0x1F40  }
0x8: {  	s3 =	sand.u32 $0x1, s3;
	s5 =	sshll.u32 s21, $0x1;
	s6 =	smul.u32 $0x2800, s21  }
0x9: {  	[smem:$0x7FF] =	sst s20;
	s26 =	sshll.u32 s21, $0x6;
	s5 =	sor.u32 s3, s5  }
0xa: {  	s8 =	smul.u32 $0x28000, s3;
	_ =	strace $0x8000004A;
	[dreg:$0xd] =	wrdreg s11  }
0xb: {  	s3 =	ssub.s32 $0x2, s3;
	s11 =	simm.s32 $0x6;
	[dreg:$0xf] =	wrdreg s16  }
0xc: {  	s16 =	simm.s32 $0x7;
	[dreg:$0x11] =	wrdreg s17;
	s17 =	simm.s32 $0x8  }
0xd: {  	s5 =	smul.u32 $0x2710, s5;
	s7 =	sshrl.u32 s6, $0x3;
	s9 =	sshrl.u32 s3, $0x1  }
0xe: {  	s24 =	sadd.s32 s6, s2;
	s7 =	sadd.s32 s7, s1;
	s8 =	sadd.s32 s6, s8  }
0xf: {  	s22 =	ssub.s32 s3, s9;
	s3 =	sor.u32 $0x1C09, s26;
	s6 =	sadd.s32 s6, s4  }
0x10: {  	s9 =	simm.s32 $0x5;
	s26 =	simm.s32 $0x32C8;
	s5 =	sshrl.u32 s5, $0x3  }
0x11: {  	s8 =	sshrl.u32 s8, $0x3;
	s23 =	sadd.s32 $0x1B000, s7;
	s25 =	sadd.s32 $0x16000, s7  }
0x12: {  	s0 =	smax.u32 s22, $0x1;
	s19 =	sshrl.u32 s6, $0x3;
	[dreg:$0x10] =	wrdreg s26  }
0x13: {  	s6 =	sshrl.u32 s24, $0x3;
	s7 =	simm.s32 $0x3E8;
	[dreg:$0x4] =	wrdreg s23  }
0x14: {  	s22 =	simm.s32 $0x7D0;
	s24 =	simm.s32 $0x2AF8;
	[dreg:$0x5] =	wrdreg s25  }
0x15: {  	s26 =	simm.s32 $0x3A98;
	s5 =	sadd.s32 s5, s1;
	[dreg:$0x9] =	wrdreg s19  }
0x16: {  	s1 =	sadd.s32 s8, s1;
	s8 =	simm.s32 $0x8CA0;
	[dreg:$0xa] =	wrdreg s22  }
0x17: {  	s23 =	simm.s32 $0xBB8;
	[dreg:$0xc] =	wrdreg s24;
	s25 =	simm.s32 $0x2EE0  }
0x18: {  	s19 =	simm.s32 $0x3;
	p1 =	sne.s32 s0, $0x1;
	s0 =	sadd.s32 $0xFFFFFFFF, s0  }
.Ltmp0:
0x19: {  	s24 =	simm.s32 $0x2328;
	[dreg:$0xb] =	wrdreg s23;
	(pc) =	sbr.rel @!p1 .LBB2_5-.Ltmp0, $4  }
0x1a: {  	s22 =	simm.s32 $0x4650;
	s10 =	sadd.s32 $0x2600, s5;
	[dreg:$0xe] =	wrdreg s25  }
0x1b: {  	s5 =	sadd.s32 $0xC240, s5;
	s1 =	sadd.s32 $0x20000, s1;
	[dreg:$0x6] =	wrdreg s10  }
0x1c: {  	s25 =	simm.s32 $0x3E80;
	s23 =	simm.s32 $0x4268;
	[dreg:$0x7] =	wrdreg s5  }
0x1d: {  	[dreg:$0x8] =	wrdreg s1;
	s5 =	simm.s32 $0x9;
	s10 =	simm.s32 $0x4E20  }
0x1e: {  	s1 =	rddreg [dreg:$0x4]  }
0x1f: {  	[spmem:s6], [sflag:s3] =	dma.local [hbm:s1], $0x500  }
0x20: {  	_ =	swait.ge [sflag:s5], $0x500  }
0x21: {  	s21 =	smov.u32 s0;
	s0 =	rddreg [dreg:$0x5];
	[sflag:s5] =	ssyncset.done $0x0  }
0x22: {  	s1 =	rddreg [dreg:$0x9];
	[sflag:s5] =	ssyncadd.s32 $0xFFFFFB00  }
0x23: {  	[spmem:s1], [sflag:s3] =	dma.local [hbm:s0], $0x500  }
0x24: {  	_ =	swait.ge [sflag:s5], $0x500  }
0x25: {  	[sflag:s5] =	ssyncset.done $0x0  }
0x26: {  	s1 =	rddreg [dreg:$0x6];
	[sflag:s5] =	ssyncadd.s32 $0xFFFFFB00  }
0x27: {  	[tilespmem:s20], [sflag:$0x9] =	stream.linear.gather [hbm4b:s1+s20], $0x2710, $0x38;
	[tilespmem:$0x19820] =	vst v63  }
0x28: {  	_ =	swait.ge [sflag:s5], $0x2710  }
0x29: {  	[sflag:s5] =	ssyncset.done $0x0  }
0x2a: {  	s1 =	rddreg [dreg:$0x7];
	[sflag:s5] =	ssyncadd.s32 $0xFFFFD8F0  }
0x2b: {  	[tilespmem:s31], [sflag:$0x9] =	stream.linear.gather [hbm4b:s1+s20], $0x2710, $0x38;
	[tilespmem:$0x19820] =	vst v63  }
0x2c: {  	_ =	swait.ge [sflag:s5], $0x2710  }
0x2d: {  	[sflag:s5] =	ssyncset.done $0x0  }
0x2e: {  	[sflag:s5] =	ssyncadd.s32 $0xFFFFD8F0  }
0x2f: {  	[bflag:$0x0] =	sbarrier.arrive $0xFFFF  }
0x30: {  	[tilespmem:s10], [sflag:$0x1] =	stream.indirect.gather [spmem:s4], $0x10, s20, s7, $0xb8;
	[tilespmem:$0x19820] =	vst v63  }
0x31: {  	_ = 	snop  }
0x32: {  	[tilespmem:s8], [sflag:$0x2] =	stream.indirect.gather [spmem:s4], $0x10, s7, s7, $0xb8;
	[tilespmem:$0x19820] =	vst v63  }
0x33: {  	s1 =	rddreg [dreg:$0xa]  }
0x34: {  	[tilespmem:s15], [sflag:$0x3] =	stream.indirect.gather [spmem:s4], $0x10, s1, s7, $0xb8;
	[tilespmem:$0x19820] =	vst v63  }
0x35: {  	_ =	swait.ge [sflag:s12], $0x3E80  }
0x36: {  	[sflag:s12] =	ssyncset.done $0x0  }
0x37: {  	[sflag:s12] =	ssyncadd.s32 $0xFFFFC180  }
0x38: {  	[spmem:s2] =	stream.indirect.scatter.add.f32 [tilespmem:s10], [sflag:$0x5], $0x10, s31, s7, $0xb8;
	[tilespmem:$0x19820] =	vst v63  }
0x39: {  	s1 =	rddreg [dreg:$0xb]  }
0x3a: {  	[tilespmem:s14], [sflag:$0x4] =	stream.indirect.gather [spmem:s4], $0x10, s1, s7, $0xb8;
	[tilespmem:$0x19820] =	vst v63  }
0x3b: {  	_ =	swait.ge [sflag:s13], $0x3E80  }
0x3c: {  	[sflag:s13] =	ssyncset.done $0x0  }
0x3d: {  	s1 =	rddreg [dreg:$0xc];
	[sflag:s13] =	ssyncadd.s32 $0xFFFFC180  }
0x3e: {  	[spmem:s2] =	stream.indirect.scatter.add.f32 [tilespmem:s8], [sflag:$0x6], $0x10, s1, s7, $0xb8;
	[tilespmem:$0x19820] =	vst v63  }
0x3f: {  	_ =	swait.ge [sflag:s9], $0x3E80  }
0x40: {  	[sflag:s9] =	ssyncset.done $0x0  }
0x41: {  	s1 =	rddreg [dreg:$0xd];
	[sflag:s9] =	ssyncadd.s32 $0xFFFFC180  }
0x42: {  	[tilespmem:s10], [sflag:$0x1] =	stream.indirect.gather [spmem:s4], $0x10, s1, s7, $0xb8;
	[tilespmem:$0x19820] =	vst v63  }
0x43: {  	_ =	swait.ge [sflag:s19], $0x3E80  }
0x44: {  	[sflag:s19] =	ssyncset.done $0x0  }
0x45: {  	s1 =	rddreg [dreg:$0xe];
	[sflag:s19] =	ssyncadd.s32 $0xFFFFC180  }
0x46: {  	[spmem:s2] =	stream.indirect.scatter.add.f32 [tilespmem:s15], [sflag:$0x7], $0x10, s1, s7, $0xb8;
	[tilespmem:$0x19820] =	vst v63  }
0x47: {  	_ =	swait.ge [sflag:s11], $0x3E80  }
0x48: {  	[sflag:s11] =	ssyncset.done $0x0  }
0x49: {  	s1 =	rddreg [dreg:$0xf];
	[sflag:s11] =	ssyncadd.s32 $0xFFFFC180  }
0x4a: {  	[tilespmem:s8], [sflag:$0x2] =	stream.indirect.gather [spmem:s4], $0x10, s1, s7, $0xb8;
	[tilespmem:$0x19820] =	vst v63  }
0x4b: {  	_ =	swait.ge [sflag:s18], $0x3E80  }
0x4c: {  	[sflag:s18] =	ssyncset.done $0x0  }
0x4d: {  	s1 =	rddreg [dreg:$0x10];
	[sflag:s18] =	ssyncadd.s32 $0xFFFFC180  }
0x4e: {  	[spmem:s2] =	stream.indirect.scatter.add.f32 [tilespmem:s14], [sflag:$0x8], $0x10, s1, s7, $0xb8;
	[tilespmem:$0x19820] =	vst v63  }
0x4f: {  	_ =	swait.ge [sflag:s16], $0x3E80  }
0x50: {  	[sflag:s16] =	ssyncset.done $0x0  }
0x51: {  	s1 =	rddreg [dreg:$0x11];
	[sflag:s16] =	ssyncadd.s32 $0xFFFFC180  }
0x52: {  	[tilespmem:s15], [sflag:$0x3] =	stream.indirect.gather [spmem:s4], $0x10, s1, s7, $0xb8;
	[tilespmem:$0x19820] =	vst v63  }
0x53: {  	_ =	swait.ge [sflag:s12], $0x3E80  }
0x54: {  	[sflag:s12] =	ssyncset.done $0x0  }
0x55: {  	[sflag:s12] =	ssyncadd.s32 $0xFFFFC180  }
0x56: {  	[spmem:s2] =	stream.indirect.scatter.add.f32 [tilespmem:s10], [sflag:$0x5], $0x10, s30, s7, $0xb8;
	[tilespmem:$0x19820] =	vst v63  }
0x57: {  	_ =	swait.ge [sflag:s17], $0x3E80  }
0x58: {  	[sflag:s17] =	ssyncset.done $0x0  }
0x59: {  	[sflag:s17] =	ssyncadd.s32 $0xFFFFC180  }
0x5a: {  	[tilespmem:s14], [sflag:$0x4] =	stream.indirect.gather [spmem:s4], $0x10, s29, s7, $0xb8;
	[tilespmem:$0x19820] =	vst v63  }
0x5b: {  	_ =	swait.ge [sflag:s13], $0x3E80  }
0x5c: {  	[sflag:s13] =	ssyncset.done $0x0  }
0x5d: {  	[sflag:s13] =	ssyncadd.s32 $0xFFFFC180  }
0x5e: {  	[spmem:s2] =	stream.indirect.scatter.add.f32 [tilespmem:s8], [sflag:$0x6], $0x10, s26, s7, $0xb8;
	[tilespmem:$0x19820] =	vst v63  }
0x5f: {  	_ =	swait.ge [sflag:s9], $0x3E80  }
0x60: {  	[sflag:s9] =	ssyncset.done $0x0  }
0x61: {  	[sflag:s9] =	ssyncadd.s32 $0xFFFFC180  }
0x62: {  	[tilespmem:s10], [sflag:$0x1] =	stream.indirect.gather [spmem:s4], $0x10, s28, s7, $0xb8;
	[tilespmem:$0x19820] =	vst v63  }
0x63: {  	_ =	swait.ge [sflag:s19], $0x3E80  }
0x64: {  	[sflag:s19] =	ssyncset.done $0x0  }
0x65: {  	[sflag:s19] =	ssyncadd.s32 $0xFFFFC180  }
0x66: {  	[spmem:s2] =	stream.indirect.scatter.add.f32 [tilespmem:s15], [sflag:$0x7], $0x10, s25, s7, $0xb8;
	[tilespmem:$0x19820] =	vst v63  }
0x67: {  	_ =	swait.ge [sflag:s11], $0x3E80  }
0x68: {  	[sflag:s11] =	ssyncset.done $0x0  }
0x69: {  	[sflag:s11] =	ssyncadd.s32 $0xFFFFC180  }
0x6a: {  	[tilespmem:s8], [sflag:$0x2] =	stream.indirect.gather [spmem:s4], $0x10, s24, s7, $0xb8;
	[tilespmem:$0x19820] =	vst v63  }
0x6b: {  	_ =	swait.ge [sflag:s18], $0x3E80  }
0x6c: {  	[sflag:s18] =	ssyncset.done $0x0  }
0x6d: {  	[sflag:s18] =	ssyncadd.s32 $0xFFFFC180  }
0x6e: {  	[spmem:s2] =	stream.indirect.scatter.add.f32 [tilespmem:s14], [sflag:$0x8], $0x10, s23, s7, $0xb8;
	[tilespmem:$0x19820] =	vst v63  }
0x6f: {  	_ =	swait.ge [sflag:s12], $0x3E80  }
0x70: {  	[sflag:s12] =	ssyncset.done $0x0  }
0x71: {  	[sflag:s12] =	ssyncadd.s32 $0xFFFFC180  }
0x72: {  	[spmem:s2] =	stream.indirect.scatter.add.f32 [tilespmem:s10], [sflag:$0x5], $0x10, s22, s7, $0xb8;
	[tilespmem:$0x19820] =	vst v63  }
0x73: {  	_ =	swait.ge [sflag:s13], $0x3E80  }
0x74: {  	[sflag:s13] =	ssyncset.done $0x0  }
0x75: {  	s1 =	simm.s32 $0x4A38;
	[sflag:s13] =	ssyncadd.s32 $0xFFFFC180  }
0x76: {  	[spmem:s2] =	stream.indirect.scatter.add.f32 [tilespmem:s8], [sflag:$0x6], $0x10, s1, s7, $0xb8;
	[tilespmem:$0x19820] =	vst v63  }
0x77: {  	_ =	swait.ge [sflag:s16], $0x3E80  }
0x78: {  	[sflag:s16] =	ssyncset.done $0x0  }
0x79: {  	[sflag:s16] =	ssyncadd.s32 $0xFFFFC180  }
0x7a: {  	_ =	swait.ge [sflag:s17], $0x3E80  }
0x7b: {  	[sflag:s17] =	ssyncset.done $0x0  }
0x7c: {  	[sflag:s17] =	ssyncadd.s32 $0xFFFFC180  }
0x7d: {  	_ =	swait.ge [sflag:s9], $0x3E80  }
0x7e: {  	[sflag:s9] =	ssyncset.done $0x0  }
0x7f: {  	[sflag:s9] =	ssyncadd.s32 $0xFFFFC180  }
0x80: {  	_ =	swait.ge [sflag:s11], $0x3E80  }
0x81: {  	p1 =	sne.s32 s21, $0x1;
	[sflag:s11] =	ssyncset.done $0x0  }
.Ltmp1:
0x82: {  	[sflag:s11] =	ssyncadd.s32 $0xFFFFC180;
	(pc) =	sbr.rel @!p1 .LBB2_2-.Ltmp1, $4  }
0x83: {  	[bflag:$0x0] =	sbarrier.arrive $0xFFFF  }
0x84: {  	s1 =	rddreg [dreg:$0x8]  }
0x85: {  	[hbm:s1], [sflag:s3] =	dma.local [spmem:s6], $0x500  }
0x86: {  	p0 =	por $0x1, $0x1;
	s1 =	sadd.s32 $0xFFFFFFFF, s21;
	_ =	swait.ge [sflag:s5], $0x500  }
.LBB2_3:
0x87: {  	[sflag:s5] =	ssyncset.done $0x0  }
0x88: {  	s0 =	rddreg [dreg:$0x4];
	[sflag:s5] =	ssyncadd.s32 $0xFFFFFB00  }
0x89: {  	[spmem:s6], [sflag:s3] =	dma.local [hbm:s0], $0x500  }
0x8a: {  	_ =	swait.ge [sflag:s5], $0x500  }
0x8b: {  	[sflag:s5] =	ssyncset.done $0x0;
	s0 =	rddreg [dreg:$0x5]  }
0x8c: {  	s21 =	rddreg [dreg:$0x9];
	[sflag:s5] =	ssyncadd.s32 $0xFFFFFB00  }
0x8d: {  	[spmem:s21], [sflag:s3] =	dma.local [hbm:s0], $0x500  }
0x8e: {  	_ =	swait.ge [sflag:s5], $0x500  }
0x8f: {  	[sflag:s5] =	ssyncset.done $0x0  }
0x90: {  	s21 =	rddreg [dreg:$0x6];
	[sflag:s5] =	ssyncadd.s32 $0xFFFFFB00  }
0x91: {  	[tilespmem:s20], [sflag:$0x9] =	stream.linear.gather [hbm4b:s21+s20], $0x2710, $0x38;
	[tilespmem:$0x19820] =	vst v63  }
0x92: {  	_ =	swait.ge [sflag:s5], $0x2710  }
0x93: {  	[sflag:s5] =	ssyncset.done $0x0  }
0x94: {  	s21 =	rddreg [dreg:$0x7];
	[sflag:s5] =	ssyncadd.s32 $0xFFFFD8F0  }
0x95: {  	[tilespmem:s31], [sflag:$0x9] =	stream.linear.gather [hbm4b:s21+s20], $0x2710, $0x38;
	[tilespmem:$0x19820] =	vst v63  }
0x96: {  	_ =	swait.ge [sflag:s5], $0x2710  }
0x97: {  	[sflag:s5] =	ssyncset.done $0x0  }
0x98: {  	[sflag:s5] =	ssyncadd.s32 $0xFFFFD8F0  }
0x99: {  	[bflag:$0x0] =	sbarrier.arrive $0xFFFF  }
0x9a: {  	[tilespmem:s10], [sflag:$0x1] =	stream.indirect.gather [spmem:s4], $0x10, s20, s7, $0xb8;
	[tilespmem:$0x19820] =	vst v63  }
0x9b: {  	_ = 	snop  }
0x9c: {  	[tilespmem:s8], [sflag:$0x2] =	stream.indirect.gather [spmem:s4], $0x10, s7, s7, $0xb8;
	[tilespmem:$0x19820] =	vst v63  }
0x9d: {  	s21 =	rddreg [dreg:$0xa]  }
0x9e: {  	[tilespmem:s15], [sflag:$0x3] =	stream.indirect.gather [spmem:s4], $0x10, s21, s7, $0xb8;
	[tilespmem:$0x19820] =	vst v63  }
0x9f: {  	_ =	swait.ge [sflag:s12], $0x3E80  }
0xa0: {  	[sflag:s12] =	ssyncset.done $0x0  }
0xa1: {  	[sflag:s12] =	ssyncadd.s32 $0xFFFFC180  }
0xa2: {  	[spmem:s2] =	stream.indirect.scatter.add.f32 [tilespmem:s10], [sflag:$0x5], $0x10, s31, s7, $0xb8;
	[tilespmem:$0x19820] =	vst v63  }
0xa3: {  	s21 =	rddreg [dreg:$0xb]  }
0xa4: {  	[tilespmem:s14], [sflag:$0x4] =	stream.indirect.gather [spmem:s4], $0x10, s21, s7, $0xb8;
	[tilespmem:$0x19820] =	vst v63  }
0xa5: {  	_ =	swait.ge [sflag:s13], $0x3E80  }
0xa6: {  	[sflag:s13] =	ssyncset.done $0x0  }
0xa7: {  	s21 =	rddreg [dreg:$0xc];
	[sflag:s13] =	ssyncadd.s32 $0xFFFFC180  }
0xa8: {  	[spmem:s2] =	stream.indirect.scatter.add.f32 [tilespmem:s8], [sflag:$0x6], $0x10, s21, s7, $0xb8;
	[tilespmem:$0x19820] =	vst v63  }
0xa9: {  	_ =	swait.ge [sflag:s9], $0x3E80  }
0xaa: {  	[sflag:s9] =	ssyncset.done $0x0  }
0xab: {  	s21 =	rddreg [dreg:$0xd];
	[sflag:s9] =	ssyncadd.s32 $0xFFFFC180  }
0xac: {  	[tilespmem:s10], [sflag:$0x1] =	stream.indirect.gather [spmem:s4], $0x10, s21, s7, $0xb8;
	[tilespmem:$0x19820] =	vst v63  }
0xad: {  	_ =	swait.ge [sflag:s19], $0x3E80  }
0xae: {  	[sflag:s19] =	ssyncset.done $0x0  }
0xaf: {  	s21 =	rddreg [dreg:$0xe];
	[sflag:s19] =	ssyncadd.s32 $0xFFFFC180  }
0xb0: {  	[spmem:s2] =	stream.indirect.scatter.add.f32 [tilespmem:s15], [sflag:$0x7], $0x10, s21, s7, $0xb8;
	[tilespmem:$0x19820] =	vst v63  }
0xb1: {  	_ =	swait.ge [sflag:s11], $0x3E80  }
0xb2: {  	[sflag:s11] =	ssyncset.done $0x0  }
0xb3: {  	s21 =	rddreg [dreg:$0xf];
	[sflag:s11] =	ssyncadd.s32 $0xFFFFC180  }
0xb4: {  	[tilespmem:s8], [sflag:$0x2] =	stream.indirect.gather [spmem:s4], $0x10, s21, s7, $0xb8;
	[tilespmem:$0x19820] =	vst v63  }
0xb5: {  	_ =	swait.ge [sflag:s18], $0x3E80  }
0xb6: {  	[sflag:s18] =	ssyncset.done $0x0  }
0xb7: {  	s21 =	rddreg [dreg:$0x10];
	[sflag:s18] =	ssyncadd.s32 $0xFFFFC180  }
0xb8: {  	[spmem:s2] =	stream.indirect.scatter.add.f32 [tilespmem:s14], [sflag:$0x8], $0x10, s21, s7, $0xb8;
	[tilespmem:$0x19820] =	vst v63  }
0xb9: {  	_ =	swait.ge [sflag:s16], $0x3E80  }
0xba: {  	[sflag:s16] =	ssyncset.done $0x0  }
0xbb: {  	s21 =	rddreg [dreg:$0x11];
	[sflag:s16] =	ssyncadd.s32 $0xFFFFC180  }
0xbc: {  	[tilespmem:s15], [sflag:$0x3] =	stream.indirect.gather [spmem:s4], $0x10, s21, s7, $0xb8;
	[tilespmem:$0x19820] =	vst v63  }
0xbd: {  	_ =	swait.ge [sflag:s12], $0x3E80  }
0xbe: {  	[sflag:s12] =	ssyncset.done $0x0  }
0xbf: {  	[sflag:s12] =	ssyncadd.s32 $0xFFFFC180  }
0xc0: {  	[spmem:s2] =	stream.indirect.scatter.add.f32 [tilespmem:s10], [sflag:$0x5], $0x10, s30, s7, $0xb8;
	[tilespmem:$0x19820] =	vst v63  }
0xc1: {  	_ =	swait.ge [sflag:s17], $0x3E80  }
0xc2: {  	[sflag:s17] =	ssyncset.done $0x0  }
0xc3: {  	[sflag:s17] =	ssyncadd.s32 $0xFFFFC180  }
0xc4: {  	[tilespmem:s14], [sflag:$0x4] =	stream.indirect.gather [spmem:s4], $0x10, s29, s7, $0xb8;
	[tilespmem:$0x19820] =	vst v63  }
0xc5: {  	_ =	swait.ge [sflag:s13], $0x3E80  }
0xc6: {  	[sflag:s13] =	ssyncset.done $0x0  }
0xc7: {  	[sflag:s13] =	ssyncadd.s32 $0xFFFFC180  }
0xc8: {  	[spmem:s2] =	stream.indirect.scatter.add.f32 [tilespmem:s8], [sflag:$0x6], $0x10, s26, s7, $0xb8;
	[tilespmem:$0x19820] =	vst v63  }
0xc9: {  	_ =	swait.ge [sflag:s9], $0x3E80  }
0xca: {  	[sflag:s9] =	ssyncset.done $0x0  }
0xcb: {  	[sflag:s9] =	ssyncadd.s32 $0xFFFFC180  }
0xcc: {  	[tilespmem:s10], [sflag:$0x1] =	stream.indirect.gather [spmem:s4], $0x10, s28, s7, $0xb8;
	[tilespmem:$0x19820] =	vst v63  }
0xcd: {  	_ =	swait.ge [sflag:s19], $0x3E80  }
0xce: {  	[sflag:s19] =	ssyncset.done $0x0  }
0xcf: {  	[sflag:s19] =	ssyncadd.s32 $0xFFFFC180  }
0xd0: {  	[spmem:s2] =	stream.indirect.scatter.add.f32 [tilespmem:s15], [sflag:$0x7], $0x10, s25, s7, $0xb8;
	[tilespmem:$0x19820] =	vst v63  }
0xd1: {  	_ =	swait.ge [sflag:s11], $0x3E80  }
0xd2: {  	[sflag:s11] =	ssyncset.done $0x0  }
0xd3: {  	[sflag:s11] =	ssyncadd.s32 $0xFFFFC180  }
0xd4: {  	[tilespmem:s8], [sflag:$0x2] =	stream.indirect.gather [spmem:s4], $0x10, s24, s7, $0xb8;
	[tilespmem:$0x19820] =	vst v63  }
0xd5: {  	_ =	swait.ge [sflag:s18], $0x3E80  }
0xd6: {  	[sflag:s18] =	ssyncset.done $0x0  }
0xd7: {  	[sflag:s18] =	ssyncadd.s32 $0xFFFFC180  }
0xd8: {  	[spmem:s2] =	stream.indirect.scatter.add.f32 [tilespmem:s14], [sflag:$0x8], $0x10, s23, s7, $0xb8;
	[tilespmem:$0x19820] =	vst v63  }
0xd9: {  	_ =	swait.ge [sflag:s12], $0x3E80  }
0xda: {  	[sflag:s12] =	ssyncset.done $0x0  }
0xdb: {  	[sflag:s12] =	ssyncadd.s32 $0xFFFFC180  }
0xdc: {  	[spmem:s2] =	stream.indirect.scatter.add.f32 [tilespmem:s10], [sflag:$0x5], $0x10, s22, s7, $0xb8;
	[tilespmem:$0x19820] =	vst v63  }
0xdd: {  	_ =	swait.ge [sflag:s13], $0x3E80  }
0xde: {  	[sflag:s13] =	ssyncset.done $0x0  }
0xdf: {  	s21 =	simm.s32 $0x4A38;
	[sflag:s13] =	ssyncadd.s32 $0xFFFFC180  }
0xe0: {  	[spmem:s2] =	stream.indirect.scatter.add.f32 [tilespmem:s8], [sflag:$0x6], $0x10, s21, s7, $0xb8;
	[tilespmem:$0x19820] =	vst v63  }
0xe1: {  	_ =	swait.ge [sflag:s16], $0x3E80  }
0xe2: {  	[sflag:s16] =	ssyncset.done $0x0  }
0xe3: {  	[sflag:s16] =	ssyncadd.s32 $0xFFFFC180  }
0xe4: {  	_ =	swait.ge [sflag:s17], $0x3E80  }
0xe5: {  	[sflag:s17] =	ssyncset.done $0x0  }
0xe6: {  	[sflag:s17] =	ssyncadd.s32 $0xFFFFC180  }
0xe7: {  	_ =	swait.ge [sflag:s9], $0x3E80  }
0xe8: {  	[sflag:s9] =	ssyncset.done $0x0  }
0xe9: {  	[sflag:s9] =	ssyncadd.s32 $0xFFFFC180  }
0xea: {  	_ =	swait.ge [sflag:s11], $0x3E80  }
0xeb: {  	p1 =	sne.s32 s1, $0x1;
	[sflag:s11] =	ssyncset.done $0x0  }
.Ltmp2:
0xec: {  	[sflag:s11] =	ssyncadd.s32 $0xFFFFC180;
	(pc) =	sbr.rel @p1 .LBB2_3-.Ltmp2, $4  }
0xed: {  	[bflag:$0x0] =	sbarrier.arrive $0xFFFF  }
0xee: {  	s21 =	rddreg [dreg:$0x8]  }
0xef: {  	[hbm:s21], [sflag:s3] =	dma.local [spmem:s6], $0x500  }
0xf0: {  	s1 =	sadd.s32 $0xFFFFFFFF, s1;
	_ =	swait.ge [sflag:s5], $0x500  }
0xf1: {  	s21 =	stileid.u32  }
.LBB2_5:
0xf2: {  	[sflag:s5] =	ssyncset.done @p0 $0x0  }
0xf3: {  	s0 =	rddreg [dreg:$0x4];
	[sflag:s5] =	ssyncadd.s32 @p0 $0xFFFFFB00  }
0xf4: {  	[spmem:s6], [sflag:s3] =	dma.local [hbm:s0], $0x500  }
0xf5: {  	_ =	swait.ge [sflag:s5], $0x500  }
0xf6: {  	s0 =	rddreg [dreg:$0x5];
	[sflag:s5] =	ssyncset.done $0x0  }
0xf7: {  	s1 =	rddreg [dreg:$0x9];
	[sflag:s5] =	ssyncadd.s32 $0xFFFFFB00  }
0xf8: {  	[spmem:s1], [sflag:s3] =	dma.local [hbm:s0], $0x500  }
0xf9: {  	_ =	swait.ge [sflag:s5], $0x500  }
0xfa: {  	[sflag:s5] =	ssyncset.done $0x0  }
0xfb: {  	s1 =	rddreg [dreg:$0x6];
	[sflag:s5] =	ssyncadd.s32 $0xFFFFFB00  }
0xfc: {  	[tilespmem:s20], [sflag:$0x9] =	stream.linear.gather [hbm4b:s1+s20], $0x2710, $0x38;
	[tilespmem:$0x19820] =	vst v63  }
0xfd: {  	_ =	swait.ge [sflag:s5], $0x2710  }
0xfe: {  	[sflag:s5] =	ssyncset.done $0x0  }
0xff: {  	s1 =	rddreg [dreg:$0x7];
	[sflag:s5] =	ssyncadd.s32 $0xFFFFD8F0  }
0x100: {  	[tilespmem:s31], [sflag:$0x9] =	stream.linear.gather [hbm4b:s1+s20], $0x2710, $0x38;
	[tilespmem:$0x19820] =	vst v63  }
0x101: {  	_ =	swait.ge [sflag:s5], $0x2710  }
0x102: {  	[sflag:s5] =	ssyncset.done $0x0  }
0x103: {  	[sflag:s5] =	ssyncadd.s32 $0xFFFFD8F0  }
0x104: {  	[bflag:$0x0] =	sbarrier.arrive $0xFFFF  }
0x105: {  	[tilespmem:s10], [sflag:$0x1] =	stream.indirect.gather [spmem:s4], $0x10, s20, s7, $0xb8;
	[tilespmem:$0x19820] =	vst v63  }
0x106: {  	_ = 	snop  }
0x107: {  	[tilespmem:s8], [sflag:$0x2] =	stream.indirect.gather [spmem:s4], $0x10, s7, s7, $0xb8;
	[tilespmem:$0x19820] =	vst v63  }
0x108: {  	s1 =	rddreg [dreg:$0xa]  }
0x109: {  	[tilespmem:s15], [sflag:$0x3] =	stream.indirect.gather [spmem:s4], $0x10, s1, s7, $0xb8;
	[tilespmem:$0x19820] =	vst v63  }
0x10a: {  	_ =	swait.ge [sflag:s12], $0x3E80  }
0x10b: {  	[sflag:s12] =	ssyncset.done $0x0  }
0x10c: {  	[sflag:s12] =	ssyncadd.s32 $0xFFFFC180  }
0x10d: {  	[spmem:s2] =	stream.indirect.scatter.add.f32 [tilespmem:s10], [sflag:$0x5], $0x10, s31, s7, $0xb8;
	[tilespmem:$0x19820] =	vst v63  }
0x10e: {  	s20 =	rddreg [dreg:$0xb]  }
0x10f: {  	[tilespmem:s14], [sflag:$0x4] =	stream.indirect.gather [spmem:s4], $0x10, s20, s7, $0xb8;
	[tilespmem:$0x19820] =	vst v63  }
0x110: {  	_ =	swait.ge [sflag:s13], $0x3E80  }
0x111: {  	[sflag:s13] =	ssyncset.done $0x0  }
0x112: {  	s31 =	rddreg [dreg:$0xc];
	[sflag:s13] =	ssyncadd.s32 $0xFFFFC180  }
0x113: {  	[spmem:s2] =	stream.indirect.scatter.add.f32 [tilespmem:s8], [sflag:$0x6], $0x10, s31, s7, $0xb8;
	[tilespmem:$0x19820] =	vst v63  }
0x114: {  	_ =	swait.ge [sflag:s9], $0x3E80  }
0x115: {  	[sflag:s9] =	ssyncset.done $0x0  }
0x116: {  	s1 =	rddreg [dreg:$0xd];
	[sflag:s9] =	ssyncadd.s32 $0xFFFFC180  }
0x117: {  	[tilespmem:s10], [sflag:$0x1] =	stream.indirect.gather [spmem:s4], $0x10, s1, s7, $0xb8;
	[tilespmem:$0x19820] =	vst v63  }
0x118: {  	_ =	swait.ge [sflag:s19], $0x3E80  }
0x119: {  	[sflag:s19] =	ssyncset.done $0x0  }
0x11a: {  	s20 =	rddreg [dreg:$0xe];
	[sflag:s19] =	ssyncadd.s32 $0xFFFFC180  }
0x11b: {  	[spmem:s2] =	stream.indirect.scatter.add.f32 [tilespmem:s15], [sflag:$0x7], $0x10, s20, s7, $0xb8;
	[tilespmem:$0x19820] =	vst v63  }
0x11c: {  	_ =	swait.ge [sflag:s11], $0x3E80  }
0x11d: {  	[sflag:s11] =	ssyncset.done $0x0  }
0x11e: {  	s31 =	rddreg [dreg:$0xf];
	[sflag:s11] =	ssyncadd.s32 $0xFFFFC180  }
0x11f: {  	[tilespmem:s8], [sflag:$0x2] =	stream.indirect.gather [spmem:s4], $0x10, s31, s7, $0xb8;
	[tilespmem:$0x19820] =	vst v63  }
0x120: {  	_ =	swait.ge [sflag:s18], $0x3E80  }
0x121: {  	[sflag:s18] =	ssyncset.done $0x0  }
0x122: {  	s1 =	rddreg [dreg:$0x10];
	[sflag:s18] =	ssyncadd.s32 $0xFFFFC180  }
0x123: {  	[spmem:s2] =	stream.indirect.scatter.add.f32 [tilespmem:s14], [sflag:$0x8], $0x10, s1, s7, $0xb8;
	[tilespmem:$0x19820] =	vst v63  }
0x124: {  	_ =	swait.ge [sflag:s16], $0x3E80  }
0x125: {  	[sflag:s16] =	ssyncset.done $0x0  }
0x126: {  	s20 =	rddreg [dreg:$0x11];
	[sflag:s16] =	ssyncadd.s32 $0xFFFFC180  }
0x127: {  	[tilespmem:s15], [sflag:$0x3] =	stream.indirect.gather [spmem:s4], $0x10, s20, s7, $0xb8;
	[tilespmem:$0x19820] =	vst v63  }
0x128: {  	_ =	swait.ge [sflag:s12], $0x3E80  }
0x129: {  	[sflag:s12] =	ssyncset.done $0x0  }
0x12a: {  	[sflag:s12] =	ssyncadd.s32 $0xFFFFC180  }
0x12b: {  	[spmem:s2] =	stream.indirect.scatter.add.f32 [tilespmem:s10], [sflag:$0x5], $0x10, s30, s7, $0xb8;
	[tilespmem:$0x19820] =	vst v63  }
0x12c: {  	_ =	swait.ge [sflag:s17], $0x3E80  }
0x12d: {  	[sflag:s17] =	ssyncset.done $0x0  }
0x12e: {  	[sflag:s17] =	ssyncadd.s32 $0xFFFFC180  }
0x12f: {  	[tilespmem:s14], [sflag:$0x4] =	stream.indirect.gather [spmem:s4], $0x10, s29, s7, $0xb8;
	[tilespmem:$0x19820] =	vst v63  }
0x130: {  	_ =	swait.ge [sflag:s13], $0x3E80  }
0x131: {  	[sflag:s13] =	ssyncset.done $0x0  }
0x132: {  	[sflag:s13] =	ssyncadd.s32 $0xFFFFC180  }
0x133: {  	[spmem:s2] =	stream.indirect.scatter.add.f32 [tilespmem:s8], [sflag:$0x6], $0x10, s26, s7, $0xb8;
	[tilespmem:$0x19820] =	vst v63  }
0x134: {  	_ =	swait.ge [sflag:s9], $0x3E80  }
0x135: {  	[sflag:s9] =	ssyncset.done $0x0  }
0x136: {  	[sflag:s9] =	ssyncadd.s32 $0xFFFFC180  }
0x137: {  	[tilespmem:s10], [sflag:$0x1] =	stream.indirect.gather [spmem:s4], $0x10, s28, s7, $0xb8;
	[tilespmem:$0x19820] =	vst v63  }
0x138: {  	_ =	swait.ge [sflag:s19], $0x3E80  }
0x139: {  	[sflag:s19] =	ssyncset.done $0x0  }
0x13a: {  	[sflag:s19] =	ssyncadd.s32 $0xFFFFC180  }
0x13b: {  	[spmem:s2] =	stream.indirect.scatter.add.f32 [tilespmem:s15], [sflag:$0x7], $0x10, s25, s7, $0xb8;
	[tilespmem:$0x19820] =	vst v63  }
0x13c: {  	_ =	swait.ge [sflag:s11], $0x3E80  }
0x13d: {  	[sflag:s11] =	ssyncset.done $0x0  }
0x13e: {  	[sflag:s11] =	ssyncadd.s32 $0xFFFFC180  }
0x13f: {  	[tilespmem:s8], [sflag:$0x2] =	stream.indirect.gather [spmem:s4], $0x10, s24, s7, $0xb8;
	[tilespmem:$0x19820] =	vst v63  }
0x140: {  	_ =	swait.ge [sflag:s18], $0x3E80  }
0x141: {  	[sflag:s18] =	ssyncset.done $0x0  }
0x142: {  	[sflag:s18] =	ssyncadd.s32 $0xFFFFC180  }
0x143: {  	[spmem:s2] =	stream.indirect.scatter.add.f32 [tilespmem:s14], [sflag:$0x8], $0x10, s23, s7, $0xb8;
	[tilespmem:$0x19820] =	vst v63  }
0x144: {  	_ =	swait.ge [sflag:s12], $0x3E80  }
0x145: {  	[sflag:s12] =	ssyncset.done $0x0  }
0x146: {  	[sflag:s12] =	ssyncadd.s32 $0xFFFFC180  }
0x147: {  	[spmem:s2] =	stream.indirect.scatter.add.f32 [tilespmem:s10], [sflag:$0x5], $0x10, s22, s7, $0xb8;
	[tilespmem:$0x19820] =	vst v63  }
0x148: {  	_ =	swait.ge [sflag:s13], $0x3E80  }
0x149: {  	[sflag:s13] =	ssyncset.done $0x0  }
0x14a: {  	s30 =	simm.s32 $0x4A38;
	[sflag:s13] =	ssyncadd.s32 $0xFFFFC180  }
0x14b: {  	[spmem:s2] =	stream.indirect.scatter.add.f32 [tilespmem:s8], [sflag:$0x6], $0x10, s30, s7, $0xb8;
	[tilespmem:$0x19820] =	vst v63  }
0x14c: {  	_ =	swait.ge [sflag:s16], $0x3E80  }
0x14d: {  	[sflag:s16] =	ssyncset.done $0x0  }
0x14e: {  	[sflag:s16] =	ssyncadd.s32 $0xFFFFC180  }
0x14f: {  	_ =	swait.ge [sflag:s17], $0x3E80  }
0x150: {  	[sflag:s17] =	ssyncset.done $0x0  }
0x151: {  	[sflag:s17] =	ssyncadd.s32 $0xFFFFC180  }
0x152: {  	_ =	swait.ge [sflag:s9], $0x3E80  }
0x153: {  	[sflag:s9] =	ssyncset.done $0x0  }
0x154: {  	[sflag:s9] =	ssyncadd.s32 $0xFFFFC180  }
0x155: {  	_ =	swait.ge [sflag:s11], $0x3E80  }
0x156: {  	[sflag:s11] =	ssyncset.done $0x0  }
0x157: {  	[sflag:s11] =	ssyncadd.s32 $0xFFFFC180  }
0x158: {  	[bflag:$0x0] =	sbarrier.arrive $0xFFFF  }
0x159: {  	s31 =	rddreg [dreg:$0x8]  }
0x15a: {  	[hbm:s31], [sflag:s3] =	dma.local [spmem:s6], $0x500  }
0x15b: {  	_ =	swait.ge [sflag:s5], $0x500  }
0x15c: {  	[sflag:s5] =	ssyncset.done $0x0  }
0x15d: {  	[sflag:s5] =	ssyncadd.s32 $0xFFFFFB00  }
0x15e: {  	_ =	sfence.sel $0x180000  }
0x15f: {  	[bflag:$0x0] =	sbarrier.arrive $0xFFFF  }
0x160: {  	_ =	strace $0x9000004A  }
0x161: {  	[bflag:$0x2] =	sbarrier.arrive $0xFFFF  }
0x162: {  	p0 =	sne.s32 s21, $0x0;
	s0 =	rddreg [dreg:$0x3]  }
0x163: {  	s0 =	sadd.s32 @!p0 $0x100000, s0  }
0x164: {  	[sflag:s0] =	ssyncadd.tile.s32 @!p0 $0x1;
	_ =	shalt  }
.LBB2_2:
.Ltmp3:
0x165: {  	(pc) =	sbr.rel .LBB2_5-.Ltmp3, $2  }
0x166: {  	_ =	sdelay $0x2  }
0x167: {  	s21 =	stileid.u32  }
.Lfunc_end2:
_tile_overlayer_lowered:
.L_overlay_start_2:
0x168: {  	(tag) =	ssettag $0x2  }
0x169: {  	s0 =	rddreg [dreg:$0x0];
	s2 =	stileid.u32  }
0x16a: {  	s1 =	rddreg [dreg:$0x1];
	p0 =	sne.s32 s2, $0x0  }
0x16b: {  	s3 =	rddreg [dreg:$0x2];
	[bflag:$0x3] =	sbarrier.arrive $0xFFFF;
	s2 =	simm.s32 @!p0 $0x1C09  }
0x16c: {  	[timem:s3], [sflag:s2] =	dma.local @!p0 [hbm:s0], s1  }
0x16d: {  	s0 =	simm.s32 @!p0 $0x9  }
0x16e: {  	_ =	swait.ge @!p0 [sflag:s0], s1  }
0x16f: {  	s1 =	ssub.s32 @!p0 $0x0, s1;
	[sflag:s0] =	ssyncset.done @!p0 $0x0  }
0x170: {  	[sflag:s0] =	ssyncadd.s32 @!p0 s1  }
0x171: {  	[bflag:$0x3] =	sbarrier.arrive $0xFFFF  }
0x172: {  	_ =	shalt  }

// kernel: kernel.7.cloned.1.call-start
scs
__scs_entry_jumppad:
0x0: {  	(pc) =	sbr.rel $0x88, $3  }
0x1: {  	(tag) =	ssettag $0x0;
	lr =	simm.s32 $0x1  }
0x2: {  	[smem:$0x3F99] =	sst lr;
	_ =	strace $0xD0000000  }
0x3: {  	_ = 	snop  }
0x4: {  	_ = 	snop  }
0x5: {  	_ = 	snop  }
0x6: {  	_ = 	snop  }
0x7: {  	_ = 	snop  }
__scs_overlays_trampoline_lowered:
0x8: {  	[smem:$0x3FA8] =	sst s0  }
0x9: {  	[smem:$0x3FA9] =	sst s1  }
0xa: {  	[smem:$0x3FAA] =	sst s2  }
0xb: {  	[smem:$0x3FAB] =	sst s3  }
0xc: {  	[smem:$0x3FAC] =	sst s4  }
0xd: {  	[smem:$0x3FAD] =	sst s5  }
0xe: {  	[smem:$0x3FAE] =	sst s6  }
0xf: {  	[smem:$0x3FAF] =	sst s7  }
0x10: {  	[smem:$0x3FB0] =	sst s8  }
0x11: {  	[smem:$0x3FB1] =	sst s9;
	s0 =	simm.s32 @!p0 $0x0  }
0x12: {  	s1 =	sld [smem:$0x3F97];
	s0 =	simm.s32 @p0 $0x1  }
0x13: {  	[smem:$0x3FB2] =	sst s0;
	s0 =	simm.s32 @!p1 $0x0  }
0x14: {  	s2 =	sld [smem:$0x3F96];
	s0 =	simm.s32 @p1 $0x1  }
0x15: {  	[smem:$0x3FB3] =	sst s0;
	s0 =	simm.s32 @!p2 $0x0  }
0x16: {  	s3 =	sld [smem:$0x3FDB];
	s0 =	simm.s32 @p2 $0x1  }
0x17: {  	s4 =	simm.s32 $0x1BF5;
	[smem:$0x3FB5] =	sst s0  }
0x18: {  	s0 =	sld [smem:$0x3F98];
	_ =	swait.ge [sflag:s4], $0x0  }
0x19: {  	s7 =	sld [smem:$0x3F99]  }
0x1a: {  	s8 =	sadd.s32 $0xFFFFE003, lr  }
0x1b: {  	s9 =	sadd.s32 $0xFFFFFEF7, lr;
	s5 =	simm.s32 $0xFFFFFFFF;
	p2 =	slt.u32 s8, $0xFFFFF086  }
0x1c: {  	p1 =	slt.u32 s9, $0xF7A;
	s5 =	simm.s32 @!p2 $0x0  }
0x1d: {  	s5 =	simm.s32 @p1 $0x1;
	p0 =	seq.s32 s7, s2  }
0x1e: {  	s7 =	smul.u32 @!p0 $0xF7A, s2;
	p2 =	seq.s32 @!p0 s5, $0x0  }
0x1f: {  	s9 =	smul.u32 $0xF7A, s1;
	s8 =	simm.s32 @!p0 $0x1BF5;
	p2 =	por !p2, p0  }
0x20: {  	[sflag:s8] =	ssyncset.s32 @!p0 $0xFFFFF086;
	s6 =	sadd.s32 @!p0 s3, s7;
	s7 =	simm.s32 @!p0 $0x108  }
0x21: {  	s3 =	sadd.s32 s3, s9;
	s6 =	sadd.s32 @!p0 $0x88, s6;
	s7 =	simm.s32 @p2 $0x1082  }
0x22: {  	[simem:s7], [sflag:s8] =	dma.local @!p0 [hbm:s6], $0xF7A  }
0x23: {  	s9 =	sor.u32 $0xD0000000, s2;
	s6 =	simm.s32 $0x108;
	_ =	swait.ge @!p0 [sflag:s8], $0x0  }
0x24: {  	s3 =	sadd.s32 $0x88, s3;
	s6 =	simm.s32 @!p1 $0x1082;
	[sflag:s4] =	ssyncset.s32 $0xFFFFF086  }
0x25: {  	[simem:s6], [sflag:s4] =	dma.local [hbm:s3], $0xF7A  }
0x26: {  	[smem:$0x3F99] =	sst s1;
	(tag) =	ssettag s2;
	_ =	strace s9  }
0x27: {  	s1 =	sld [smem:$0x3FA9]  }
0x28: {  	s2 =	sld [smem:$0x3FAA]  }
0x29: {  	s4 =	sld [smem:$0x3FAC]  }
0x2a: {  	p0 =	seq.s32 s5, $0x0;
	s5 =	sld [smem:$0x3FAD]  }
0x2b: {  	s6 =	sld [smem:$0x3FAE]  }
0x2c: {  	s7 =	sld [smem:$0x3FAF]  }
0x2d: {  	s3 =	simm.s32 $0x108;
	s8 =	sld [smem:$0x3FB0]  }
0x2e: {  	s3 =	simm.s32 @!p0 $0x1082;
	s9 =	sld [smem:$0x3FB1]  }
0x2f: {  	lr =	sadd.s32 s0, s3;
	s0 =	sld [smem:$0x3FA8]  }
0x30: {  	s3 =	sld [smem:$0x3FAB]  }
0x31: {  	[smem:$0x3FB4] =	sst s10  }
0x32: {  	s10 =	sld [smem:$0x3FB2];
	_ =	sdelay $0x3  }
0x33: {  	p0 =	seq.s32 s10, $0x1;
	s10 =	sld [smem:$0x3FB4];
	_ =	sdelay $0x3  }
0x34: {  	[smem:$0x3FB4] =	sst s10  }
0x35: {  	s10 =	sld [smem:$0x3FB3];
	_ =	sdelay $0x3  }
0x36: {  	p1 =	seq.s32 s10, $0x1;
	s10 =	sld [smem:$0x3FB4];
	_ =	sdelay $0x3  }
0x37: {  	[smem:$0x3FB4] =	sst s10  }
0x38: {  	s10 =	sld [smem:$0x3FB5]  }
0x39: {  	_ = 	snop;
	(pc) =	sbr.ind lr, $3  }
0x3a: {  	_ = 	snop  }
0x3b: {  	_ = 	snop  }
0x3c: {  	p2 =	seq.s32 s10, $0x1;
	s10 =	sld [smem:$0x3FB4]  }
0x3d: {  	_ =	shalt  }
0x3e: {  	_ =	shalt  }
0x3f: {  	_ =	shalt  }
0x40: {  	_ =	shalt  }
0x41: {  	_ =	shalt  }
0x42: {  	_ =	shalt  }
0x43: {  	_ =	shalt  }
0x44: {  	_ =	shalt  }
0x45: {  	_ =	shalt  }
0x46: {  	_ =	shalt  }
0x47: {  	_ =	shalt  }
0x48: {  	_ =	shalt  }
0x49: {  	_ =	shalt  }
0x4a: {  	_ =	shalt  }
0x4b: {  	_ =	shalt  }
0x4c: {  	_ =	shalt  }
0x4d: {  	_ =	shalt  }
0x4e: {  	_ =	shalt  }
0x4f: {  	_ =	shalt  }
0x50: {  	_ =	shalt  }
0x51: {  	_ =	shalt  }
0x52: {  	_ =	shalt  }
0x53: {  	_ =	shalt  }
0x54: {  	_ =	shalt  }
0x55: {  	_ =	shalt  }
0x56: {  	_ =	shalt  }
0x57: {  	_ =	shalt  }
0x58: {  	_ =	shalt  }
0x59: {  	_ =	shalt  }
0x5a: {  	_ =	shalt  }
0x5b: {  	_ =	shalt  }
0x5c: {  	_ =	shalt  }
0x5d: {  	_ =	shalt  }
0x5e: {  	_ =	shalt  }
0x5f: {  	_ =	shalt  }
0x60: {  	_ =	shalt  }
0x61: {  	_ =	shalt  }
0x62: {  	_ =	shalt  }
0x63: {  	_ =	shalt  }
0x64: {  	_ =	shalt  }
0x65: {  	_ =	shalt  }
0x66: {  	_ =	shalt  }
0x67: {  	_ =	shalt  }
0x68: {  	_ =	shalt  }
0x69: {  	_ =	shalt  }
0x6a: {  	_ =	shalt  }
0x6b: {  	_ =	shalt  }
0x6c: {  	_ =	shalt  }
0x6d: {  	_ =	shalt  }
0x6e: {  	_ =	shalt  }
0x6f: {  	_ =	shalt  }
0x70: {  	_ =	shalt  }
0x71: {  	_ =	shalt  }
0x72: {  	_ =	shalt  }
0x73: {  	_ =	shalt  }
0x74: {  	_ =	shalt  }
0x75: {  	_ =	shalt  }
0x76: {  	_ =	shalt  }
0x77: {  	_ =	shalt  }
0x78: {  	_ =	shalt  }
0x79: {  	_ =	shalt  }
0x7a: {  	_ =	shalt  }
0x7b: {  	_ =	shalt  }
0x7c: {  	_ =	shalt  }
0x7d: {  	_ =	shalt  }
0x7e: {  	_ =	shalt  }
0x7f: {  	_ =	shalt  }
0x80: {  	_ =	shalt  }
0x81: {  	_ =	shalt  }
0x82: {  	_ =	shalt  }
0x83: {  	_ =	shalt  }
0x84: {  	_ =	shalt  }
0x85: {  	_ =	shalt  }
0x86: {  	_ =	shalt  }
0x87: {  	_ =	shalt  }
.Lfunc_end0:
.L_simem_size_0:
called_computation_lowered:
.L_overlay_start_0:
0x88: {  	s2 =	sld [smem:$0x3FD9]  }
0x89: {  	s3 =	sld [smem:$0x3FFE];
	_ =	sdelay $0x1  }
0x8a: {  	s1 =	srdreg.scid  }
0x8b: {  	s0 =	sand.u32 $0x1, s1  }
0x8c: {  	s16 =	sshll.u32 s0, $0xA;
	s2 =	sadd.s32 s3, s2  }
0x8d: {  	s2 =	sadd.s32 s2, s16  }
0x8e: {  	[smem:$0x3FC0] =	sst s2  }
0x8f: {  	_ = 	snop  }
0x90: {  	(tm) =	ssettm $0x1  }
0x91: {  	s17 =	sld [smem:$0x3FFB];
	_ =	sdelay $0x3  }
0x92: {  	_ =	strace s17  }
0x93: {  	s2 =	sld [smem:$0x3FFC];
	_ =	sdelay $0x3  }
0x94: {  	_ =	strace s2  }
0x95: {  	s2 =	sld [smem:$0x3FFD];
	_ =	sdelay $0x3  }
0x96: {  	_ =	strace s2  }
0x97: {  	_ =	strace $0x8FFFFFFF  }
0x98: {  	s18 =	sld [smem:$0x3FDB];
	_ =	sdelay $0x1  }
0x99: {  	s19 =	simm.s32 $_scs_section_size  }
0x9a: {  	s4 =	simm.s32 $_size__tile_overlayer_lowered;
	s5 =	simm.s32 $_tile_overlayer_lowered  }
0x9b: {  	s22 =	simm.s32 $0x1BFF;
	s21 =	sshll.u32 s5, $0x1;
	s2 =	sadd.s32 s19, s18  }
0x9c: {  	s6 =	simm.s32 $0x0;
	s20 =	sshll.u32 s4, $0x1;
	s4 =	sadd.s32 s21, s2  }
0x9d: {  	[timem:s6], [sflag:s22] =	dma.local [hbm:s4], s20  }
0x9e: {  	_ =	swait.ge [sflag:s22], s20  }
0x9f: {  	s3 =	ssub.s32 $0x0, s20;
	[sflag:s22] =	ssyncset.done $0x0  }
0xa0: {  	[sflag:s22] =	ssyncadd.s32 s3;
	_ =	sdelay $0x1  }
0xa1: {  	s23 =	simm.s32 $0x1B8B  }
0xa2: {  	_ =	swait.ge [sflag:s23], $0x1  }
0xa3: {  	[sflag:s23] =	ssyncset.done $0x0  }
0xa4: {  	s25 =	simm.s32 $0x1B8E;
	s24 =	sld [smem:$0x3FFE];
	[sflag:s23] =	ssyncadd.s32 $0xFFFFFFFF  }
0xa5: {  	s26 =	simm.s32 $execute0_lowered;
	[smem:$0x3FD2] =	sst s25  }
0xa6: {  	s4 =	sshll.u32 s26, $0x1;
	_ =	strace $0x80000046;
	[dreg:$0x1] =	wrdreg $0xFFFFFFFF  }
0xa7: {  	s28 =	simm.s32 $_size_execute0_lowered;
	s2 =	sadd.s32 s2, s4;
	[dreg:$0x0] =	wrdreg $0x0  }
0xa8: {  	s4 =	sshll.u32 s28, $0x1;
	[dreg:$0x2] =	wrdreg s2  }
0xa9: {  	[dreg:$0x3] =	wrdreg s4  }
0xaa: {  	[dreg:$0x4] =	wrdreg $0xC0  }
0xab: {  	_ =	task [dreg:s6], $0x5FFFF  }
0xac: {  	[dreg:$0x1] =	wrdreg $0xFFFFFFFF  }
0xad: {  	[dreg:$0x0] =	wrdreg $0x60  }
0xae: {  	[dreg:$0x2] =	wrdreg s24  }
0xaf: {  	[dreg:$0x3] =	wrdreg $0x148200  }
0xb0: {  	[dreg:$0x4] =	wrdreg $0x170200  }
0xb1: {  	[dreg:$0x5] =	wrdreg $0x9  }
0xb2: {  	_ =	task.clear_ibuf [dreg:s6], $0x6FFFF;
	_ =	strace $0x90000046  }
0xb3: {  	s29 =	simm.s32 $0x9;
	_ =	strace $0x80000048  }
0xb4: {  	_ =	swait.ge [sflag:s29], $0x1  }
0xb5: {  	[sflag:s29] =	ssyncadd.s32 $0xFFFFFFFF  }
0xb6: {  	_ =	strace $0x90000048  }
0xb7: {  	_ =	sfence  }
0xb8: {  	s30 =	sld [smem:$0x0];
	_ =	sdelay $0x2  }
0xb9: {  	s31 =	sshll.u32 s1, $0xD;
	s1 =	sshrl.u32 s1, $0x2  }
0xba: {  	s3 =	sand.u32 $0x4000, s31;
	s1 =	sadd.s32 s1, s30  }
0xbb: {  	s0 =	sor.u32 s3, s0;
	s1 =	sshll.u32 s1, $0x11  }
0xbc: {  	s0 =	sor.u32 s1, s0  }
0xbd: {  	s0 =	sadd.s32 $0x8F2B, s0  }
0xbe: {  	[sflag:s0] =	ssyncadd.remote.s32 $0x1  }
0xbf: {  	_ =	sfence.sel $0xFFFF  }
0xc0: {  	[dreg:$0x0] =	wrdreg $0xFFFFFFFF;
	(pc) =	sbr.abs _section_cstart, $3  }
0xc1: {  	[dreg:$0x1] =	wrdreg $0xFFFFFFFF  }
0xc2: {  	_ =	task.clear_ibuf [dreg:s6], $0x2FFFF;
	_ =	strace $0x9FFFFFFF  }
0xc3: {  	(tm) =	ssettm $0x7FFFFFFF  }
tec
execute0_lowered:
.L_overlay_start_1:
0x0: {  	(tag) =	ssettag $0x1  }
0x1: {  	s1 =	rddreg [dreg:$0x0];
	s21 =	stileid.u32  }
0x2: {  	s3 =	srdreg.scid;
	s2 =	rddreg [dreg:$0x1]  }
0x3: {  	s4 =	rddreg [dreg:$0x2];
	s20 =	simm.s32 $0x0;
	s31 =	simm.s32 $0x2710  }
0x4: {  	s15 =	simm.s32 $0xCB20;
	s12 =	simm.s32 $0x1;
	s14 =	simm.s32 $0x109A0  }
0x5: {  	s13 =	simm.s32 $0x2;
	s11 =	simm.s32 $0xFA0;
	s16 =	simm.s32 $0x1388  }
0x6: {  	s18 =	simm.s32 $0x4;
	s17 =	simm.s32 $0x1770;
	s30 =	simm.s32 $0x36B0  }
0x7: {  	s29 =	simm.s32 $0x1B58;
	p0 =	por $0x0, $0x0;
	s28 =	simm.s32 $0x1F40  }
0x8: {  	s3 =	sand.u32 $0x1, s3;
	s5 =	sshll.u32 s21, $0x1;
	s6 =	smul.u32 $0x2800, s21  }
0x9: {  	[smem:$0x7FF] =	sst s20;
	s26 =	sshll.u32 s21, $0x6;
	s5 =	sor.u32 s3, s5  }
0xa: {  	s8 =	smul.u32 $0x28000, s3;
	_ =	strace $0x80000047;
	[dreg:$0xd] =	wrdreg s11  }
0xb: {  	s3 =	ssub.s32 $0x2, s3;
	s11 =	simm.s32 $0x6;
	[dreg:$0xf] =	wrdreg s16  }
0xc: {  	s16 =	simm.s32 $0x7;
	[dreg:$0x11] =	wrdreg s17;
	s17 =	simm.s32 $0x8  }
0xd: {  	s5 =	smul.u32 $0x2710, s5;
	s7 =	sshrl.u32 s6, $0x3;
	s9 =	sshrl.u32 s3, $0x1  }
0xe: {  	s24 =	sadd.s32 s6, s2;
	s7 =	sadd.s32 s7, s1;
	s8 =	sadd.s32 s6, s8  }
0xf: {  	s22 =	ssub.s32 s3, s9;
	s3 =	sor.u32 $0x1C09, s26;
	s6 =	sadd.s32 s6, s4  }
0x10: {  	s9 =	simm.s32 $0x5;
	s26 =	simm.s32 $0x32C8;
	s5 =	sshrl.u32 s5, $0x3  }
0x11: {  	s8 =	sshrl.u32 s8, $0x3;
	s23 =	sadd.s32 $0x1B000, s7;
	s25 =	sadd.s32 $0x16000, s7  }
0x12: {  	s0 =	smax.u32 s22, $0x1;
	s19 =	sshrl.u32 s6, $0x3;
	[dreg:$0x10] =	wrdreg s26  }
0x13: {  	s6 =	sshrl.u32 s24, $0x3;
	s7 =	simm.s32 $0x3E8;
	[dreg:$0x4] =	wrdreg s23  }
0x14: {  	s22 =	simm.s32 $0x7D0;
	s24 =	simm.s32 $0x2AF8;
	[dreg:$0x5] =	wrdreg s25  }
0x15: {  	s26 =	simm.s32 $0x3A98;
	s5 =	sadd.s32 s5, s1;
	[dreg:$0x9] =	wrdreg s19  }
0x16: {  	s1 =	sadd.s32 s8, s1;
	s8 =	simm.s32 $0x8CA0;
	[dreg:$0xa] =	wrdreg s22  }
0x17: {  	s23 =	simm.s32 $0xBB8;
	[dreg:$0xc] =	wrdreg s24;
	s25 =	simm.s32 $0x2EE0  }
0x18: {  	s19 =	simm.s32 $0x3;
	p1 =	sne.s32 s0, $0x1;
	s0 =	sadd.s32 $0xFFFFFFFF, s0  }
.Ltmp0:
0x19: {  	s24 =	simm.s32 $0x2328;
	[dreg:$0xb] =	wrdreg s23;
	(pc) =	sbr.rel @!p1 .LBB2_5-.Ltmp0, $4  }
0x1a: {  	s22 =	simm.s32 $0x4650;
	s10 =	sadd.s32 $0x2600, s5;
	[dreg:$0xe] =	wrdreg s25  }
0x1b: {  	s5 =	sadd.s32 $0xC240, s5;
	s1 =	sadd.s32 $0x20000, s1;
	[dreg:$0x6] =	wrdreg s10  }
0x1c: {  	s25 =	simm.s32 $0x3E80;
	s23 =	simm.s32 $0x4268;
	[dreg:$0x7] =	wrdreg s5  }
0x1d: {  	[dreg:$0x8] =	wrdreg s1;
	s5 =	simm.s32 $0x9;
	s10 =	simm.s32 $0x4E20  }
0x1e: {  	s1 =	rddreg [dreg:$0x4]  }
0x1f: {  	[spmem:s6], [sflag:s3] =	dma.local [hbm:s1], $0x500  }
0x20: {  	_ =	swait.ge [sflag:s5], $0x500  }
0x21: {  	s21 =	smov.u32 s0;
	s0 =	rddreg [dreg:$0x5];
	[sflag:s5] =	ssyncset.done $0x0  }
0x22: {  	s1 =	rddreg [dreg:$0x9];
	[sflag:s5] =	ssyncadd.s32 $0xFFFFFB00  }
0x23: {  	[spmem:s1], [sflag:s3] =	dma.local [hbm:s0], $0x500  }
0x24: {  	_ =	swait.ge [sflag:s5], $0x500  }
0x25: {  	[sflag:s5] =	ssyncset.done $0x0  }
0x26: {  	s1 =	rddreg [dreg:$0x6];
	[sflag:s5] =	ssyncadd.s32 $0xFFFFFB00  }
0x27: {  	[tilespmem:s20], [sflag:$0x9] =	stream.linear.gather [hbm4b:s1+s20], $0x2710, $0x38;
	[tilespmem:$0x19820] =	vst v63  }
0x28: {  	_ =	swait.ge [sflag:s5], $0x2710  }
0x29: {  	[sflag:s5] =	ssyncset.done $0x0  }
0x2a: {  	s1 =	rddreg [dreg:$0x7];
	[sflag:s5] =	ssyncadd.s32 $0xFFFFD8F0  }
0x2b: {  	[tilespmem:s31], [sflag:$0x9] =	stream.linear.gather [hbm4b:s1+s20], $0x2710, $0x38;
	[tilespmem:$0x19820] =	vst v63  }
0x2c: {  	_ =	swait.ge [sflag:s5], $0x2710  }
0x2d: {  	[sflag:s5] =	ssyncset.done $0x0  }
0x2e: {  	[sflag:s5] =	ssyncadd.s32 $0xFFFFD8F0  }
0x2f: {  	[bflag:$0x0] =	sbarrier.arrive $0xFFFF  }
0x30: {  	[tilespmem:s10], [sflag:$0x1] =	stream.indirect.gather [spmem:s4], $0x10, s20, s7, $0xb8;
	[tilespmem:$0x19820] =	vst v63  }
0x31: {  	_ = 	snop  }
0x32: {  	[tilespmem:s8], [sflag:$0x2] =	stream.indirect.gather [spmem:s4], $0x10, s7, s7, $0xb8;
	[tilespmem:$0x19820] =	vst v63  }
0x33: {  	s1 =	rddreg [dreg:$0xa]  }
0x34: {  	[tilespmem:s15], [sflag:$0x3] =	stream.indirect.gather [spmem:s4], $0x10, s1, s7, $0xb8;
	[tilespmem:$0x19820] =	vst v63  }
0x35: {  	_ =	swait.ge [sflag:s12], $0x3E80  }
0x36: {  	[sflag:s12] =	ssyncset.done $0x0  }
0x37: {  	[sflag:s12] =	ssyncadd.s32 $0xFFFFC180  }
0x38: {  	[spmem:s2] =	stream.indirect.scatter.add.f32 [tilespmem:s10], [sflag:$0x5], $0x10, s31, s7, $0xb8;
	[tilespmem:$0x19820] =	vst v63  }
0x39: {  	s1 =	rddreg [dreg:$0xb]  }
0x3a: {  	[tilespmem:s14], [sflag:$0x4] =	stream.indirect.gather [spmem:s4], $0x10, s1, s7, $0xb8;
	[tilespmem:$0x19820] =	vst v63  }
0x3b: {  	_ =	swait.ge [sflag:s13], $0x3E80  }
0x3c: {  	[sflag:s13] =	ssyncset.done $0x0  }
0x3d: {  	s1 =	rddreg [dreg:$0xc];
	[sflag:s13] =	ssyncadd.s32 $0xFFFFC180  }
0x3e: {  	[spmem:s2] =	stream.indirect.scatter.add.f32 [tilespmem:s8], [sflag:$0x6], $0x10, s1, s7, $0xb8;
	[tilespmem:$0x19820] =	vst v63  }
0x3f: {  	_ =	swait.ge [sflag:s9], $0x3E80  }
0x40: {  	[sflag:s9] =	ssyncset.done $0x0  }
0x41: {  	s1 =	rddreg [dreg:$0xd];
	[sflag:s9] =	ssyncadd.s32 $0xFFFFC180  }
0x42: {  	[tilespmem:s10], [sflag:$0x1] =	stream.indirect.gather [spmem:s4], $0x10, s1, s7, $0xb8;
	[tilespmem:$0x19820] =	vst v63  }
0x43: {  	_ =	swait.ge [sflag:s19], $0x3E80  }
0x44: {  	[sflag:s19] =	ssyncset.done $0x0  }
0x45: {  	s1 =	rddreg [dreg:$0xe];
	[sflag:s19] =	ssyncadd.s32 $0xFFFFC180  }
0x46: {  	[spmem:s2] =	stream.indirect.scatter.add.f32 [tilespmem:s15], [sflag:$0x7], $0x10, s1, s7, $0xb8;
	[tilespmem:$0x19820] =	vst v63  }
0x47: {  	_ =	swait.ge [sflag:s11], $0x3E80  }
0x48: {  	[sflag:s11] =	ssyncset.done $0x0  }
0x49: {  	s1 =	rddreg [dreg:$0xf];
	[sflag:s11] =	ssyncadd.s32 $0xFFFFC180  }
0x4a: {  	[tilespmem:s8], [sflag:$0x2] =	stream.indirect.gather [spmem:s4], $0x10, s1, s7, $0xb8;
	[tilespmem:$0x19820] =	vst v63  }
0x4b: {  	_ =	swait.ge [sflag:s18], $0x3E80  }
0x4c: {  	[sflag:s18] =	ssyncset.done $0x0  }
0x4d: {  	s1 =	rddreg [dreg:$0x10];
	[sflag:s18] =	ssyncadd.s32 $0xFFFFC180  }
0x4e: {  	[spmem:s2] =	stream.indirect.scatter.add.f32 [tilespmem:s14], [sflag:$0x8], $0x10, s1, s7, $0xb8;
	[tilespmem:$0x19820] =	vst v63  }
0x4f: {  	_ =	swait.ge [sflag:s16], $0x3E80  }
0x50: {  	[sflag:s16] =	ssyncset.done $0x0  }
0x51: {  	s1 =	rddreg [dreg:$0x11];
	[sflag:s16] =	ssyncadd.s32 $0xFFFFC180  }
0x52: {  	[tilespmem:s15], [sflag:$0x3] =	stream.indirect.gather [spmem:s4], $0x10, s1, s7, $0xb8;
	[tilespmem:$0x19820] =	vst v63  }
0x53: {  	_ =	swait.ge [sflag:s12], $0x3E80  }
0x54: {  	[sflag:s12] =	ssyncset.done $0x0  }
0x55: {  	[sflag:s12] =	ssyncadd.s32 $0xFFFFC180  }
0x56: {  	[spmem:s2] =	stream.indirect.scatter.add.f32 [tilespmem:s10], [sflag:$0x5], $0x10, s30, s7, $0xb8;
	[tilespmem:$0x19820] =	vst v63  }
0x57: {  	_ =	swait.ge [sflag:s17], $0x3E80  }
0x58: {  	[sflag:s17] =	ssyncset.done $0x0  }
0x59: {  	[sflag:s17] =	ssyncadd.s32 $0xFFFFC180  }
0x5a: {  	[tilespmem:s14], [sflag:$0x4] =	stream.indirect.gather [spmem:s4], $0x10, s29, s7, $0xb8;
	[tilespmem:$0x19820] =	vst v63  }
0x5b: {  	_ =	swait.ge [sflag:s13], $0x3E80  }
0x5c: {  	[sflag:s13] =	ssyncset.done $0x0  }
0x5d: {  	[sflag:s13] =	ssyncadd.s32 $0xFFFFC180  }
0x5e: {  	[spmem:s2] =	stream.indirect.scatter.add.f32 [tilespmem:s8], [sflag:$0x6], $0x10, s26, s7, $0xb8;
	[tilespmem:$0x19820] =	vst v63  }
0x5f: {  	_ =	swait.ge [sflag:s9], $0x3E80  }
0x60: {  	[sflag:s9] =	ssyncset.done $0x0  }
0x61: {  	[sflag:s9] =	ssyncadd.s32 $0xFFFFC180  }
0x62: {  	[tilespmem:s10], [sflag:$0x1] =	stream.indirect.gather [spmem:s4], $0x10, s28, s7, $0xb8;
	[tilespmem:$0x19820] =	vst v63  }
0x63: {  	_ =	swait.ge [sflag:s19], $0x3E80  }
0x64: {  	[sflag:s19] =	ssyncset.done $0x0  }
0x65: {  	[sflag:s19] =	ssyncadd.s32 $0xFFFFC180  }
0x66: {  	[spmem:s2] =	stream.indirect.scatter.add.f32 [tilespmem:s15], [sflag:$0x7], $0x10, s25, s7, $0xb8;
	[tilespmem:$0x19820] =	vst v63  }
0x67: {  	_ =	swait.ge [sflag:s11], $0x3E80  }
0x68: {  	[sflag:s11] =	ssyncset.done $0x0  }
0x69: {  	[sflag:s11] =	ssyncadd.s32 $0xFFFFC180  }
0x6a: {  	[tilespmem:s8], [sflag:$0x2] =	stream.indirect.gather [spmem:s4], $0x10, s24, s7, $0xb8;
	[tilespmem:$0x19820] =	vst v63  }
0x6b: {  	_ =	swait.ge [sflag:s18], $0x3E80  }
0x6c: {  	[sflag:s18] =	ssyncset.done $0x0  }
0x6d: {  	[sflag:s18] =	ssyncadd.s32 $0xFFFFC180  }
0x6e: {  	[spmem:s2] =	stream.indirect.scatter.add.f32 [tilespmem:s14], [sflag:$0x8], $0x10, s23, s7, $0xb8;
	[tilespmem:$0x19820] =	vst v63  }
0x6f: {  	_ =	swait.ge [sflag:s12], $0x3E80  }
0x70: {  	[sflag:s12] =	ssyncset.done $0x0  }
0x71: {  	[sflag:s12] =	ssyncadd.s32 $0xFFFFC180  }
0x72: {  	[spmem:s2] =	stream.indirect.scatter.add.f32 [tilespmem:s10], [sflag:$0x5], $0x10, s22, s7, $0xb8;
	[tilespmem:$0x19820] =	vst v63  }
0x73: {  	_ =	swait.ge [sflag:s13], $0x3E80  }
0x74: {  	[sflag:s13] =	ssyncset.done $0x0  }
0x75: {  	s1 =	simm.s32 $0x4A38;
	[sflag:s13] =	ssyncadd.s32 $0xFFFFC180  }
0x76: {  	[spmem:s2] =	stream.indirect.scatter.add.f32 [tilespmem:s8], [sflag:$0x6], $0x10, s1, s7, $0xb8;
	[tilespmem:$0x19820] =	vst v63  }
0x77: {  	_ =	swait.ge [sflag:s16], $0x3E80  }
0x78: {  	[sflag:s16] =	ssyncset.done $0x0  }
0x79: {  	[sflag:s16] =	ssyncadd.s32 $0xFFFFC180  }
0x7a: {  	_ =	swait.ge [sflag:s17], $0x3E80  }
0x7b: {  	[sflag:s17] =	ssyncset.done $0x0  }
0x7c: {  	[sflag:s17] =	ssyncadd.s32 $0xFFFFC180  }
0x7d: {  	_ =	swait.ge [sflag:s9], $0x3E80  }
0x7e: {  	[sflag:s9] =	ssyncset.done $0x0  }
0x7f: {  	[sflag:s9] =	ssyncadd.s32 $0xFFFFC180  }
0x80: {  	_ =	swait.ge [sflag:s11], $0x3E80  }
0x81: {  	p1 =	sne.s32 s21, $0x1;
	[sflag:s11] =	ssyncset.done $0x0  }
.Ltmp1:
0x82: {  	[sflag:s11] =	ssyncadd.s32 $0xFFFFC180;
	(pc) =	sbr.rel @!p1 .LBB2_2-.Ltmp1, $4  }
0x83: {  	[bflag:$0x0] =	sbarrier.arrive $0xFFFF  }
0x84: {  	s1 =	rddreg [dreg:$0x8]  }
0x85: {  	[hbm:s1], [sflag:s3] =	dma.local [spmem:s6], $0x500  }
0x86: {  	p0 =	por $0x1, $0x1;
	s1 =	sadd.s32 $0xFFFFFFFF, s21;
	_ =	swait.ge [sflag:s5], $0x500  }
.LBB2_3:
0x87: {  	[sflag:s5] =	ssyncset.done $0x0  }
0x88: {  	s0 =	rddreg [dreg:$0x4];
	[sflag:s5] =	ssyncadd.s32 $0xFFFFFB00  }
0x89: {  	[spmem:s6], [sflag:s3] =	dma.local [hbm:s0], $0x500  }
0x8a: {  	_ =	swait.ge [sflag:s5], $0x500  }
0x8b: {  	[sflag:s5] =	ssyncset.done $0x0;
	s0 =	rddreg [dreg:$0x5]  }
0x8c: {  	s21 =	rddreg [dreg:$0x9];
	[sflag:s5] =	ssyncadd.s32 $0xFFFFFB00  }
0x8d: {  	[spmem:s21], [sflag:s3] =	dma.local [hbm:s0], $0x500  }
0x8e: {  	_ =	swait.ge [sflag:s5], $0x500  }
0x8f: {  	[sflag:s5] =	ssyncset.done $0x0  }
0x90: {  	s21 =	rddreg [dreg:$0x6];
	[sflag:s5] =	ssyncadd.s32 $0xFFFFFB00  }
0x91: {  	[tilespmem:s20], [sflag:$0x9] =	stream.linear.gather [hbm4b:s21+s20], $0x2710, $0x38;
	[tilespmem:$0x19820] =	vst v63  }
0x92: {  	_ =	swait.ge [sflag:s5], $0x2710  }
0x93: {  	[sflag:s5] =	ssyncset.done $0x0  }
0x94: {  	s21 =	rddreg [dreg:$0x7];
	[sflag:s5] =	ssyncadd.s32 $0xFFFFD8F0  }
0x95: {  	[tilespmem:s31], [sflag:$0x9] =	stream.linear.gather [hbm4b:s21+s20], $0x2710, $0x38;
	[tilespmem:$0x19820] =	vst v63  }
0x96: {  	_ =	swait.ge [sflag:s5], $0x2710  }
0x97: {  	[sflag:s5] =	ssyncset.done $0x0  }
0x98: {  	[sflag:s5] =	ssyncadd.s32 $0xFFFFD8F0  }
0x99: {  	[bflag:$0x0] =	sbarrier.arrive $0xFFFF  }
0x9a: {  	[tilespmem:s10], [sflag:$0x1] =	stream.indirect.gather [spmem:s4], $0x10, s20, s7, $0xb8;
	[tilespmem:$0x19820] =	vst v63  }
0x9b: {  	_ = 	snop  }
0x9c: {  	[tilespmem:s8], [sflag:$0x2] =	stream.indirect.gather [spmem:s4], $0x10, s7, s7, $0xb8;
	[tilespmem:$0x19820] =	vst v63  }
0x9d: {  	s21 =	rddreg [dreg:$0xa]  }
0x9e: {  	[tilespmem:s15], [sflag:$0x3] =	stream.indirect.gather [spmem:s4], $0x10, s21, s7, $0xb8;
	[tilespmem:$0x19820] =	vst v63  }
0x9f: {  	_ =	swait.ge [sflag:s12], $0x3E80  }
0xa0: {  	[sflag:s12] =	ssyncset.done $0x0  }
0xa1: {  	[sflag:s12] =	ssyncadd.s32 $0xFFFFC180  }
0xa2: {  	[spmem:s2] =	stream.indirect.scatter.add.f32 [tilespmem:s10], [sflag:$0x5], $0x10, s31, s7, $0xb8;
	[tilespmem:$0x19820] =	vst v63  }
0xa3: {  	s21 =	rddreg [dreg:$0xb]  }
0xa4: {  	[tilespmem:s14], [sflag:$0x4] =	stream.indirect.gather [spmem:s4], $0x10, s21, s7, $0xb8;
	[tilespmem:$0x19820] =	vst v63  }
0xa5: {  	_ =	swait.ge [sflag:s13], $0x3E80  }
0xa6: {  	[sflag:s13] =	ssyncset.done $0x0  }
0xa7: {  	s21 =	rddreg [dreg:$0xc];
	[sflag:s13] =	ssyncadd.s32 $0xFFFFC180  }
0xa8: {  	[spmem:s2] =	stream.indirect.scatter.add.f32 [tilespmem:s8], [sflag:$0x6], $0x10, s21, s7, $0xb8;
	[tilespmem:$0x19820] =	vst v63  }
0xa9: {  	_ =	swait.ge [sflag:s9], $0x3E80  }
0xaa: {  	[sflag:s9] =	ssyncset.done $0x0  }
0xab: {  	s21 =	rddreg [dreg:$0xd];
	[sflag:s9] =	ssyncadd.s32 $0xFFFFC180  }
0xac: {  	[tilespmem:s10], [sflag:$0x1] =	stream.indirect.gather [spmem:s4], $0x10, s21, s7, $0xb8;
	[tilespmem:$0x19820] =	vst v63  }
0xad: {  	_ =	swait.ge [sflag:s19], $0x3E80  }
0xae: {  	[sflag:s19] =	ssyncset.done $0x0  }
0xaf: {  	s21 =	rddreg [dreg:$0xe];
	[sflag:s19] =	ssyncadd.s32 $0xFFFFC180  }
0xb0: {  	[spmem:s2] =	stream.indirect.scatter.add.f32 [tilespmem:s15], [sflag:$0x7], $0x10, s21, s7, $0xb8;
	[tilespmem:$0x19820] =	vst v63  }
0xb1: {  	_ =	swait.ge [sflag:s11], $0x3E80  }
0xb2: {  	[sflag:s11] =	ssyncset.done $0x0  }
0xb3: {  	s21 =	rddreg [dreg:$0xf];
	[sflag:s11] =	ssyncadd.s32 $0xFFFFC180  }
0xb4: {  	[tilespmem:s8], [sflag:$0x2] =	stream.indirect.gather [spmem:s4], $0x10, s21, s7, $0xb8;
	[tilespmem:$0x19820] =	vst v63  }
0xb5: {  	_ =	swait.ge [sflag:s18], $0x3E80  }
0xb6: {  	[sflag:s18] =	ssyncset.done $0x0  }
0xb7: {  	s21 =	rddreg [dreg:$0x10];
	[sflag:s18] =	ssyncadd.s32 $0xFFFFC180  }
0xb8: {  	[spmem:s2] =	stream.indirect.scatter.add.f32 [tilespmem:s14], [sflag:$0x8], $0x10, s21, s7, $0xb8;
	[tilespmem:$0x19820] =	vst v63  }
0xb9: {  	_ =	swait.ge [sflag:s16], $0x3E80  }
0xba: {  	[sflag:s16] =	ssyncset.done $0x0  }
0xbb: {  	s21 =	rddreg [dreg:$0x11];
	[sflag:s16] =	ssyncadd.s32 $0xFFFFC180  }
0xbc: {  	[tilespmem:s15], [sflag:$0x3] =	stream.indirect.gather [spmem:s4], $0x10, s21, s7, $0xb8;
	[tilespmem:$0x19820] =	vst v63  }
0xbd: {  	_ =	swait.ge [sflag:s12], $0x3E80  }
0xbe: {  	[sflag:s12] =	ssyncset.done $0x0  }
0xbf: {  	[sflag:s12] =	ssyncadd.s32 $0xFFFFC180  }
0xc0: {  	[spmem:s2] =	stream.indirect.scatter.add.f32 [tilespmem:s10], [sflag:$0x5], $0x10, s30, s7, $0xb8;
	[tilespmem:$0x19820] =	vst v63  }
0xc1: {  	_ =	swait.ge [sflag:s17], $0x3E80  }
0xc2: {  	[sflag:s17] =	ssyncset.done $0x0  }
0xc3: {  	[sflag:s17] =	ssyncadd.s32 $0xFFFFC180  }
0xc4: {  	[tilespmem:s14], [sflag:$0x4] =	stream.indirect.gather [spmem:s4], $0x10, s29, s7, $0xb8;
	[tilespmem:$0x19820] =	vst v63  }
0xc5: {  	_ =	swait.ge [sflag:s13], $0x3E80  }
0xc6: {  	[sflag:s13] =	ssyncset.done $0x0  }
0xc7: {  	[sflag:s13] =	ssyncadd.s32 $0xFFFFC180  }
0xc8: {  	[spmem:s2] =	stream.indirect.scatter.add.f32 [tilespmem:s8], [sflag:$0x6], $0x10, s26, s7, $0xb8;
	[tilespmem:$0x19820] =	vst v63  }
0xc9: {  	_ =	swait.ge [sflag:s9], $0x3E80  }
0xca: {  	[sflag:s9] =	ssyncset.done $0x0  }
0xcb: {  	[sflag:s9] =	ssyncadd.s32 $0xFFFFC180  }
0xcc: {  	[tilespmem:s10], [sflag:$0x1] =	stream.indirect.gather [spmem:s4], $0x10, s28, s7, $0xb8;
	[tilespmem:$0x19820] =	vst v63  }
0xcd: {  	_ =	swait.ge [sflag:s19], $0x3E80  }
0xce: {  	[sflag:s19] =	ssyncset.done $0x0  }
0xcf: {  	[sflag:s19] =	ssyncadd.s32 $0xFFFFC180  }
0xd0: {  	[spmem:s2] =	stream.indirect.scatter.add.f32 [tilespmem:s15], [sflag:$0x7], $0x10, s25, s7, $0xb8;
	[tilespmem:$0x19820] =	vst v63  }
0xd1: {  	_ =	swait.ge [sflag:s11], $0x3E80  }
0xd2: {  	[sflag:s11] =	ssyncset.done $0x0  }
0xd3: {  	[sflag:s11] =	ssyncadd.s32 $0xFFFFC180  }
0xd4: {  	[tilespmem:s8], [sflag:$0x2] =	stream.indirect.gather [spmem:s4], $0x10, s24, s7, $0xb8;
	[tilespmem:$0x19820] =	vst v63  }
0xd5: {  	_ =	swait.ge [sflag:s18], $0x3E80  }
0xd6: {  	[sflag:s18] =	ssyncset.done $0x0  }
0xd7: {  	[sflag:s18] =	ssyncadd.s32 $0xFFFFC180  }
0xd8: {  	[spmem:s2] =	stream.indirect.scatter.add.f32 [tilespmem:s14], [sflag:$0x8], $0x10, s23, s7, $0xb8;
	[tilespmem:$0x19820] =	vst v63  }
0xd9: {  	_ =	swait.ge [sflag:s12], $0x3E80  }
0xda: {  	[sflag:s12] =	ssyncset.done $0x0  }
0xdb: {  	[sflag:s12] =	ssyncadd.s32 $0xFFFFC180  }
0xdc: {  	[spmem:s2] =	stream.indirect.scatter.add.f32 [tilespmem:s10], [sflag:$0x5], $0x10, s22, s7, $0xb8;
	[tilespmem:$0x19820] =	vst v63  }
0xdd: {  	_ =	swait.ge [sflag:s13], $0x3E80  }
0xde: {  	[sflag:s13] =	ssyncset.done $0x0  }
0xdf: {  	s21 =	simm.s32 $0x4A38;
	[sflag:s13] =	ssyncadd.s32 $0xFFFFC180  }
0xe0: {  	[spmem:s2] =	stream.indirect.scatter.add.f32 [tilespmem:s8], [sflag:$0x6], $0x10, s21, s7, $0xb8;
	[tilespmem:$0x19820] =	vst v63  }
0xe1: {  	_ =	swait.ge [sflag:s16], $0x3E80  }
0xe2: {  	[sflag:s16] =	ssyncset.done $0x0  }
0xe3: {  	[sflag:s16] =	ssyncadd.s32 $0xFFFFC180  }
0xe4: {  	_ =	swait.ge [sflag:s17], $0x3E80  }
0xe5: {  	[sflag:s17] =	ssyncset.done $0x0  }
0xe6: {  	[sflag:s17] =	ssyncadd.s32 $0xFFFFC180  }
0xe7: {  	_ =	swait.ge [sflag:s9], $0x3E80  }
0xe8: {  	[sflag:s9] =	ssyncset.done $0x0  }
0xe9: {  	[sflag:s9] =	ssyncadd.s32 $0xFFFFC180  }
0xea: {  	_ =	swait.ge [sflag:s11], $0x3E80  }
0xeb: {  	p1 =	sne.s32 s1, $0x1;
	[sflag:s11] =	ssyncset.done $0x0  }
.Ltmp2:
0xec: {  	[sflag:s11] =	ssyncadd.s32 $0xFFFFC180;
	(pc) =	sbr.rel @p1 .LBB2_3-.Ltmp2, $4  }
0xed: {  	[bflag:$0x0] =	sbarrier.arrive $0xFFFF  }
0xee: {  	s21 =	rddreg [dreg:$0x8]  }
0xef: {  	[hbm:s21], [sflag:s3] =	dma.local [spmem:s6], $0x500  }
0xf0: {  	s1 =	sadd.s32 $0xFFFFFFFF, s1;
	_ =	swait.ge [sflag:s5], $0x500  }
0xf1: {  	s21 =	stileid.u32  }
.LBB2_5:
0xf2: {  	[sflag:s5] =	ssyncset.done @p0 $0x0  }
0xf3: {  	s0 =	rddreg [dreg:$0x4];
	[sflag:s5] =	ssyncadd.s32 @p0 $0xFFFFFB00  }
0xf4: {  	[spmem:s6], [sflag:s3] =	dma.local [hbm:s0], $0x500  }
0xf5: {  	_ =	swait.ge [sflag:s5], $0x500  }
0xf6: {  	s0 =	rddreg [dreg:$0x5];
	[sflag:s5] =	ssyncset.done $0x0  }
0xf7: {  	s1 =	rddreg [dreg:$0x9];
	[sflag:s5] =	ssyncadd.s32 $0xFFFFFB00  }
0xf8: {  	[spmem:s1], [sflag:s3] =	dma.local [hbm:s0], $0x500  }
0xf9: {  	_ =	swait.ge [sflag:s5], $0x500  }
0xfa: {  	[sflag:s5] =	ssyncset.done $0x0  }
0xfb: {  	s1 =	rddreg [dreg:$0x6];
	[sflag:s5] =	ssyncadd.s32 $0xFFFFFB00  }
0xfc: {  	[tilespmem:s20], [sflag:$0x9] =	stream.linear.gather [hbm4b:s1+s20], $0x2710, $0x38;
	[tilespmem:$0x19820] =	vst v63  }
0xfd: {  	_ =	swait.ge [sflag:s5], $0x2710  }
0xfe: {  	[sflag:s5] =	ssyncset.done $0x0  }
0xff: {  	s1 =	rddreg [dreg:$0x7];
	[sflag:s5] =	ssyncadd.s32 $0xFFFFD8F0  }
0x100: {  	[tilespmem:s31], [sflag:$0x9] =	stream.linear.gather [hbm4b:s1+s20], $0x2710, $0x38;
	[tilespmem:$0x19820] =	vst v63  }
0x101: {  	_ =	swait.ge [sflag:s5], $0x2710  }
0x102: {  	[sflag:s5] =	ssyncset.done $0x0  }
0x103: {  	[sflag:s5] =	ssyncadd.s32 $0xFFFFD8F0  }
0x104: {  	[bflag:$0x0] =	sbarrier.arrive $0xFFFF  }
0x105: {  	[tilespmem:s10], [sflag:$0x1] =	stream.indirect.gather [spmem:s4], $0x10, s20, s7, $0xb8;
	[tilespmem:$0x19820] =	vst v63  }
0x106: {  	_ = 	snop  }
0x107: {  	[tilespmem:s8], [sflag:$0x2] =	stream.indirect.gather [spmem:s4], $0x10, s7, s7, $0xb8;
	[tilespmem:$0x19820] =	vst v63  }
0x108: {  	s1 =	rddreg [dreg:$0xa]  }
0x109: {  	[tilespmem:s15], [sflag:$0x3] =	stream.indirect.gather [spmem:s4], $0x10, s1, s7, $0xb8;
	[tilespmem:$0x19820] =	vst v63  }
0x10a: {  	_ =	swait.ge [sflag:s12], $0x3E80  }
0x10b: {  	[sflag:s12] =	ssyncset.done $0x0  }
0x10c: {  	[sflag:s12] =	ssyncadd.s32 $0xFFFFC180  }
0x10d: {  	[spmem:s2] =	stream.indirect.scatter.add.f32 [tilespmem:s10], [sflag:$0x5], $0x10, s31, s7, $0xb8;
	[tilespmem:$0x19820] =	vst v63  }
0x10e: {  	s20 =	rddreg [dreg:$0xb]  }
0x10f: {  	[tilespmem:s14], [sflag:$0x4] =	stream.indirect.gather [spmem:s4], $0x10, s20, s7, $0xb8;
	[tilespmem:$0x19820] =	vst v63  }
0x110: {  	_ =	swait.ge [sflag:s13], $0x3E80  }
0x111: {  	[sflag:s13] =	ssyncset.done $0x0  }
0x112: {  	s31 =	rddreg [dreg:$0xc];
	[sflag:s13] =	ssyncadd.s32 $0xFFFFC180  }
0x113: {  	[spmem:s2] =	stream.indirect.scatter.add.f32 [tilespmem:s8], [sflag:$0x6], $0x10, s31, s7, $0xb8;
	[tilespmem:$0x19820] =	vst v63  }
0x114: {  	_ =	swait.ge [sflag:s9], $0x3E80  }
0x115: {  	[sflag:s9] =	ssyncset.done $0x0  }
0x116: {  	s1 =	rddreg [dreg:$0xd];
	[sflag:s9] =	ssyncadd.s32 $0xFFFFC180  }
0x117: {  	[tilespmem:s10], [sflag:$0x1] =	stream.indirect.gather [spmem:s4], $0x10, s1, s7, $0xb8;
	[tilespmem:$0x19820] =	vst v63  }
0x118: {  	_ =	swait.ge [sflag:s19], $0x3E80  }
0x119: {  	[sflag:s19] =	ssyncset.done $0x0  }
0x11a: {  	s20 =	rddreg [dreg:$0xe];
	[sflag:s19] =	ssyncadd.s32 $0xFFFFC180  }
0x11b: {  	[spmem:s2] =	stream.indirect.scatter.add.f32 [tilespmem:s15], [sflag:$0x7], $0x10, s20, s7, $0xb8;
	[tilespmem:$0x19820] =	vst v63  }
0x11c: {  	_ =	swait.ge [sflag:s11], $0x3E80  }
0x11d: {  	[sflag:s11] =	ssyncset.done $0x0  }
0x11e: {  	s31 =	rddreg [dreg:$0xf];
	[sflag:s11] =	ssyncadd.s32 $0xFFFFC180  }
0x11f: {  	[tilespmem:s8], [sflag:$0x2] =	stream.indirect.gather [spmem:s4], $0x10, s31, s7, $0xb8;
	[tilespmem:$0x19820] =	vst v63  }
0x120: {  	_ =	swait.ge [sflag:s18], $0x3E80  }
0x121: {  	[sflag:s18] =	ssyncset.done $0x0  }
0x122: {  	s1 =	rddreg [dreg:$0x10];
	[sflag:s18] =	ssyncadd.s32 $0xFFFFC180  }
0x123: {  	[spmem:s2] =	stream.indirect.scatter.add.f32 [tilespmem:s14], [sflag:$0x8], $0x10, s1, s7, $0xb8;
	[tilespmem:$0x19820] =	vst v63  }
0x124: {  	_ =	swait.ge [sflag:s16], $0x3E80  }
0x125: {  	[sflag:s16] =	ssyncset.done $0x0  }
0x126: {  	s20 =	rddreg [dreg:$0x11];
	[sflag:s16] =	ssyncadd.s32 $0xFFFFC180  }
0x127: {  	[tilespmem:s15], [sflag:$0x3] =	stream.indirect.gather [spmem:s4], $0x10, s20, s7, $0xb8;
	[tilespmem:$0x19820] =	vst v63  }
0x128: {  	_ =	swait.ge [sflag:s12], $0x3E80  }
0x129: {  	[sflag:s12] =	ssyncset.done $0x0  }
0x12a: {  	[sflag:s12] =	ssyncadd.s32 $0xFFFFC180  }
0x12b: {  	[spmem:s2] =	stream.indirect.scatter.add.f32 [tilespmem:s10], [sflag:$0x5], $0x10, s30, s7, $0xb8;
	[tilespmem:$0x19820] =	vst v63  }
0x12c: {  	_ =	swait.ge [sflag:s17], $0x3E80  }
0x12d: {  	[sflag:s17] =	ssyncset.done $0x0  }
0x12e: {  	[sflag:s17] =	ssyncadd.s32 $0xFFFFC180  }
0x12f: {  	[tilespmem:s14], [sflag:$0x4] =	stream.indirect.gather [spmem:s4], $0x10, s29, s7, $0xb8;
	[tilespmem:$0x19820] =	vst v63  }
0x130: {  	_ =	swait.ge [sflag:s13], $0x3E80  }
0x131: {  	[sflag:s13] =	ssyncset.done $0x0  }
0x132: {  	[sflag:s13] =	ssyncadd.s32 $0xFFFFC180  }
0x133: {  	[spmem:s2] =	stream.indirect.scatter.add.f32 [tilespmem:s8], [sflag:$0x6], $0x10, s26, s7, $0xb8;
	[tilespmem:$0x19820] =	vst v63  }
0x134: {  	_ =	swait.ge [sflag:s9], $0x3E80  }
0x135: {  	[sflag:s9] =	ssyncset.done $0x0  }
0x136: {  	[sflag:s9] =	ssyncadd.s32 $0xFFFFC180  }
0x137: {  	[tilespmem:s10], [sflag:$0x1] =	stream.indirect.gather [spmem:s4], $0x10, s28, s7, $0xb8;
	[tilespmem:$0x19820] =	vst v63  }
0x138: {  	_ =	swait.ge [sflag:s19], $0x3E80  }
0x139: {  	[sflag:s19] =	ssyncset.done $0x0  }
0x13a: {  	[sflag:s19] =	ssyncadd.s32 $0xFFFFC180  }
0x13b: {  	[spmem:s2] =	stream.indirect.scatter.add.f32 [tilespmem:s15], [sflag:$0x7], $0x10, s25, s7, $0xb8;
	[tilespmem:$0x19820] =	vst v63  }
0x13c: {  	_ =	swait.ge [sflag:s11], $0x3E80  }
0x13d: {  	[sflag:s11] =	ssyncset.done $0x0  }
0x13e: {  	[sflag:s11] =	ssyncadd.s32 $0xFFFFC180  }
0x13f: {  	[tilespmem:s8], [sflag:$0x2] =	stream.indirect.gather [spmem:s4], $0x10, s24, s7, $0xb8;
	[tilespmem:$0x19820] =	vst v63  }
0x140: {  	_ =	swait.ge [sflag:s18], $0x3E80  }
0x141: {  	[sflag:s18] =	ssyncset.done $0x0  }
0x142: {  	[sflag:s18] =	ssyncadd.s32 $0xFFFFC180  }
0x143: {  	[spmem:s2] =	stream.indirect.scatter.add.f32 [tilespmem:s14], [sflag:$0x8], $0x10, s23, s7, $0xb8;
	[tilespmem:$0x19820] =	vst v63  }
0x144: {  	_ =	swait.ge [sflag:s12], $0x3E80  }
0x145: {  	[sflag:s12] =	ssyncset.done $0x0  }
0x146: {  	[sflag:s12] =	ssyncadd.s32 $0xFFFFC180  }
0x147: {  	[spmem:s2] =	stream.indirect.scatter.add.f32 [tilespmem:s10], [sflag:$0x5], $0x10, s22, s7, $0xb8;
	[tilespmem:$0x19820] =	vst v63  }
0x148: {  	_ =	swait.ge [sflag:s13], $0x3E80  }
0x149: {  	[sflag:s13] =	ssyncset.done $0x0  }
0x14a: {  	s30 =	simm.s32 $0x4A38;
	[sflag:s13] =	ssyncadd.s32 $0xFFFFC180  }
0x14b: {  	[spmem:s2] =	stream.indirect.scatter.add.f32 [tilespmem:s8], [sflag:$0x6], $0x10, s30, s7, $0xb8;
	[tilespmem:$0x19820] =	vst v63  }
0x14c: {  	_ =	swait.ge [sflag:s16], $0x3E80  }
0x14d: {  	[sflag:s16] =	ssyncset.done $0x0  }
0x14e: {  	[sflag:s16] =	ssyncadd.s32 $0xFFFFC180  }
0x14f: {  	_ =	swait.ge [sflag:s17], $0x3E80  }
0x150: {  	[sflag:s17] =	ssyncset.done $0x0  }
0x151: {  	[sflag:s17] =	ssyncadd.s32 $0xFFFFC180  }
0x152: {  	_ =	swait.ge [sflag:s9], $0x3E80  }
0x153: {  	[sflag:s9] =	ssyncset.done $0x0  }
0x154: {  	[sflag:s9] =	ssyncadd.s32 $0xFFFFC180  }
0x155: {  	_ =	swait.ge [sflag:s11], $0x3E80  }
0x156: {  	[sflag:s11] =	ssyncset.done $0x0  }
0x157: {  	[sflag:s11] =	ssyncadd.s32 $0xFFFFC180  }
0x158: {  	[bflag:$0x0] =	sbarrier.arrive $0xFFFF  }
0x159: {  	s31 =	rddreg [dreg:$0x8]  }
0x15a: {  	[hbm:s31], [sflag:s3] =	dma.local [spmem:s6], $0x500  }
0x15b: {  	_ =	swait.ge [sflag:s5], $0x500  }
0x15c: {  	[sflag:s5] =	ssyncset.done $0x0  }
0x15d: {  	[sflag:s5] =	ssyncadd.s32 $0xFFFFFB00  }
0x15e: {  	_ =	sfence.sel $0x180000  }
0x15f: {  	[bflag:$0x0] =	sbarrier.arrive $0xFFFF  }
0x160: {  	_ =	strace $0x90000047  }
0x161: {  	[bflag:$0x2] =	sbarrier.arrive $0xFFFF  }
0x162: {  	p0 =	sne.s32 s21, $0x0;
	s0 =	rddreg [dreg:$0x3]  }
0x163: {  	s0 =	sadd.s32 @!p0 $0x100000, s0  }
0x164: {  	[sflag:s0] =	ssyncadd.tile.s32 @!p0 $0x1;
	_ =	shalt  }
.LBB2_2:
.Ltmp3:
0x165: {  	(pc) =	sbr.rel .LBB2_5-.Ltmp3, $2  }
0x166: {  	_ =	sdelay $0x2  }
0x167: {  	s21 =	stileid.u32  }
.Lfunc_end2:
_tile_overlayer_lowered:
.L_overlay_start_2:
0x168: {  	(tag) =	ssettag $0x2  }
0x169: {  	s0 =	rddreg [dreg:$0x0];
	s2 =	stileid.u32  }
0x16a: {  	s1 =	rddreg [dreg:$0x1];
	p0 =	sne.s32 s2, $0x0  }
0x16b: {  	s3 =	rddreg [dreg:$0x2];
	[bflag:$0x3] =	sbarrier.arrive $0xFFFF;
	s2 =	simm.s32 @!p0 $0x1C09  }
0x16c: {  	[timem:s3], [sflag:s2] =	dma.local @!p0 [hbm:s0], s1  }
0x16d: {  	s0 =	simm.s32 @!p0 $0x9  }
0x16e: {  	_ =	swait.ge @!p0 [sflag:s0], s1  }
0x16f: {  	s1 =	ssub.s32 @!p0 $0x0, s1;
	[sflag:s0] =	ssyncset.done @!p0 $0x0  }
0x170: {  	[sflag:s0] =	ssyncadd.s32 @!p0 s1  }
0x171: {  	[bflag:$0x3] =	sbarrier.arrive $0xFFFF  }
0x172: {  	_ =	shalt  }

</sc_bundles>
